<compile_context>
chip_gen: v7x
topology: tpu7x:2x2x1
jax: 0.10.2.dev20260603
libtpu: 0.0.44.dev20260713+nightly
codegen_flags: <defaults>
</compile_context>

<pallas_src>
import functools

import jax
import jax.numpy as jnp
from jax import lax
from jax.experimental import pallas as pl
from jax.experimental.pallas import tpu as pltpu
from jax.experimental.pallas import tpu_sc as plsc

XS = 512
YS = 512
NC = 2
NS = 16
L = 16
NW = NC * NS

TH = 64
TW = 128
GR = XS // TH
GC = YS // TW

R = 160
C = 384

GROUPS = TH * (TW // L)


def _floor_i32(x):
  xi = x.astype(jnp.int32)
  return jnp.where(xi.astype(jnp.float32) > x, xi - 1, xi)


def _bf16r(v):
  b = plsc.bitcast(v, jnp.int32)
  r = (b + 0x7FFF + ((b >> 16) & 1)) & jnp.int32(-65536)
  return plsc.bitcast(r, jnp.float32)


def _sc_body(tmpl_hbm, ref_hbm, coef_hbm, out_hbm, win_v, refs_v, coef_v, part_v,
             dma_sem):
  cid = lax.axis_index("c")
  sid = lax.axis_index("s")
  wid = sid * NC + cid
  tr = wid // GC
  tc = wid % GC
  i0 = tr * TH
  j0 = tc * TW

  pltpu.sync_copy(coef_hbm, coef_v)
  m00 = jnp.max(coef_v[0, :])
  m01 = jnp.max(coef_v[1, :])
  m02 = jnp.max(coef_v[2, :])
  m10 = jnp.max(coef_v[3, :])
  m11 = jnp.max(coef_v[4, :])
  m12 = jnp.max(coef_v[5, :])

  fi0 = i0.astype(jnp.float32)
  fi1 = (i0 + TH - 1).astype(jnp.float32)
  fj0 = j0.astype(jnp.float32)
  fj1 = (j0 + TW - 1).astype(jnp.float32)
  xmin = jnp.minimum(jnp.minimum(m00 * fi0 + m01 * fj0, m00 * fi0 + m01 * fj1),
                     jnp.minimum(m00 * fi1 + m01 * fj0, m00 * fi1 + m01 * fj1)) + m02
  ymin = jnp.minimum(jnp.minimum(m10 * fi0 + m11 * fj0, m10 * fi0 + m11 * fj1),
                     jnp.minimum(m10 * fi1 + m11 * fj0, m10 * fi1 + m11 * fj1)) + m12
  row0 = pl.multiple_of(jnp.clip(_floor_i32(xmin) - 4, 0, XS - R) & ~7, 8)
  col0 = pl.multiple_of(jnp.clip(_floor_i32(ymin) - 4, 0, YS - C) & ~127, 128)

  wcopy = pltpu.async_copy(tmpl_hbm.at[pl.ds(row0, R), pl.ds(col0, C)], win_v,
                           dma_sem)
  pltpu.sync_copy(ref_hbm.at[pl.ds(i0, TH), pl.ds(j0, TW)], refs_v)
  wcopy.wait()

  lanes = lax.iota(jnp.int32, L)
  one = jnp.full((L,), 1.0, jnp.float32)
  NG = TW // L
  rjx = [_bf16r((j0 + g * L + lanes).astype(jnp.float32)) * m01 for g in range(NG)]
  rjy = [_bf16r((j0 + g * L + lanes).astype(jnp.float32)) * m11 for g in range(NG)]

  @plsc.parallel_loop(0, TH, carry=jnp.zeros((L,), jnp.float32))
  def row_loop(i, acc):
    riv = _bf16r(jnp.broadcast_to((i0 + i).astype(jnp.float32), (L,)))
    rowx = riv * m00 + m02
    rowy = riv * m10 + m12
    for g in range(NG):
      x = rowx + rjx[g]
      y = rowy + rjy[g]
      x0 = jnp.clip(_floor_i32(x), 1, XS - 2)
      y0 = jnp.clip(_floor_i32(y), 1, YS - 2)
      wx = x - x0.astype(jnp.float32)
      wy = y - y0.astype(jnp.float32)
      lx = x0 - row0
      ly = y0 - col0
      lx1 = lx + 1
      ly1 = ly + 1
      v00 = plsc.load_gather(win_v, [lx, ly])
      v01 = plsc.load_gather(win_v, [lx, ly1])
      v10 = plsc.load_gather(win_v, [lx1, ly])
      v11 = plsc.load_gather(win_v, [lx1, ly1])
      top = (one - wy) * v00 + wy * v01
      bot = (one - wy) * v10 + wy * v11
      val = (one - wx) * top + wx * bot
      rv = refs_v[i, pl.ds(g * L, L)]
      acc = acc + val * rv
    return acc

  part_v[...] = row_loop
  pltpu.sync_copy(part_v, out_hbm.at[wid])


_sc_warp = pl.kernel(
    _sc_body,
    out_type=jax.ShapeDtypeStruct((NW, L), jnp.float32),
    mesh=plsc.VectorSubcoreMesh(core_axis_name="c", subcore_axis_name="s",
                                num_cores=NC, num_subcores=NS),
    scratch_types=[
        pltpu.VMEM((R, C), jnp.float32),
        pltpu.VMEM((TH, TW), jnp.float32),
        pltpu.VMEM((8, L), jnp.float32),
        pltpu.VMEM((L,), jnp.float32),
        pltpu.SemaphoreType.DMA,
    ],
    compiler_params=pltpu.CompilerParams(needs_layout_passes=False),
)


def _finish_body(p_ref, o_ref):
  s = jnp.sum(p_ref[...])
  o_ref[...] = jnp.broadcast_to(s * s, (1, 1))


_finish = pl.pallas_call(
    _finish_body,
    out_shape=jax.ShapeDtypeStruct((1, 1), jnp.float32),
)


def kernel(params, template, reference_img):
  if params.ndim > 1:
    params = params[0]
  angle, tx, ty = params[0], params[1], params[2]
  cx = float(YS // 2)
  cy = float(XS // 2)
  rot = jnp.deg2rad(angle)
  c = jnp.cos(rot)
  s = jnp.sin(rot)
  m02 = c * (-tx - cx) - s * (-ty - cy) + cx
  m12 = s * (-tx - cx) + c * (-ty - cy) + cy
  coefs = jnp.stack([c, -s, m02, s, c, m12,
                     jnp.float32(0.0), jnp.float32(0.0)]).astype(jnp.float32)
  coefs = coefs.astype(jnp.bfloat16).astype(jnp.float32)
  coefs = jnp.broadcast_to(coefs[:, None], (8, L))
  partials = _sc_warp(template, reference_img, coefs)
  return _finish(partials)

# --- scband reference (transcript-rebuilt; emitter-appended) ---
"""Pipeline reference for scband-alignment-constraint-57990648431204 (READ-ONLY COPY).

The authoritative reference and input builder live on the scoring server;
editing this copy changes nothing except your own understanding.
"""

import jax, jax.numpy as jnp
import numpy as np

XSIZE = 512
YSIZE = 512

def setup_inputs(seed: int = 0) -> dict:
    key = jax.random.key(seed)
    k1, k2, k3 = jax.random.split(key, 3)
    template = jax.random.normal(k1, (XSIZE, YSIZE), dtype=jnp.float32)
    reference_img = jax.random.normal(k2, (XSIZE, YSIZE), dtype=jnp.float32)
    params = jax.random.normal(k3, (3,), dtype=jnp.float32)
    return {"params": params, "template": template, "reference_img": reference_img}

def _forward(params, template, reference_img):
    if params.ndim > 1:
        params = params[0]
    angle, tx, ty = params[0], params[1], params[2]
    xsize, ysize = template.shape
    cx = float(ysize // 2)  # center = [shape[1]//2, shape[0]//2]
    cy = float(xsize // 2)
    rot = jnp.deg2rad(angle)
    c = jnp.cos(rot)
    s = jnp.sin(rot)
    row0 = jnp.stack([c, -s, c * (-tx - cx) - s * (-ty - cy) + cx])
    row1 = jnp.stack([s, c, s * (-tx - cx) + c * (-ty - cy) + cy])
    row2 = jnp.array([0.0, 0.0, 1.0], dtype=jnp.float32)
    matrix = jnp.stack([row0, row1, row2]).astype(jnp.float32)
    gi, gj = jnp.meshgrid(jnp.arange(xsize, dtype=jnp.float32), jnp.arange(ysize, dtype=jnp.float32), indexing="ij")
    coor = jnp.stack([gi, gj, jnp.ones_like(gi)], axis=-1)
    xyprime = jnp.tensordot(coor, matrix.T, axes=1)
    x_coords = xyprime[..., 0]
    y_coords = xyprime[..., 1]
    x0 = jnp.clip(jnp.floor(x_coords).astype(jnp.int32), 1, xsize - 2)
    y0 = jnp.clip(jnp.floor(y_coords).astype(jnp.int32), 1, ysize - 2)
    x1 = x0 + 1
    y1 = y0 + 1
    wx = x_coords - x0.astype(x_coords.dtype)
    wy = y_coords - y0.astype(y_coords.dtype)
    v00 = template[x0, y0]
    v01 = template[x0, y1]
    v10 = template[x1, y0]
    v11 = template[x1, y1]
    transformed = (1 - wx) * ((1 - wy) * v00 + wy * v01) + wx * ((1 - wy) * v10 + wy * v11)
    overlap = transformed * reference_img
    out = jnp.sum(overlap) ** 2
    return out.reshape(1, 1)

def reference(params, template, reference_img):
    return _forward(params, template, reference_img)

if __name__ == "__main__":
    import jax
    _d = setup_inputs()
    print(jax.jit(kernel)(*tuple(_d.values())))

</pallas_src>

<mosaic_0001>
#map = affine_map<(d0, d1) -> (0, 0)>
module attributes {stable_mosaic.version = 14 : i64} {
  func.func @_sc_body(%arg0: i32, %arg1: i32, %arg2: memref<512x512xf32, #tpu.memory_space<hbm>>, %arg3: memref<512x512xf32, #tpu.memory_space<hbm>>, %arg4: memref<8x16xf32, #tpu.memory_space<hbm>>, %arg5: memref<32x16xf32, #tpu.memory_space<hbm>>, %arg6: memref<160x384xf32, #tpu.memory_space<vmem>>, %arg7: memref<64x128xf32, #tpu.memory_space<vmem>>, %arg8: memref<8x16xf32, #tpu.memory_space<vmem>>, %arg9: memref<16xf32, #tpu.memory_space<vmem>>, %arg10: memref<!tpu.dma_semaphore, #tpu.memory_space<semaphore_mem>>) attributes {dimension_semantics = [#tpu.dimension_semantics<core_parallel>, #tpu.dimension_semantics<subcore_parallel>], iteration_bounds = array<i64: 2, 16>, scalar_prefetch = 0 : i64, scratch_operands = 5 : i64, tpu.core_type = #tpu.core_type<sc_vector_subcore>, window_params = [{transform_indices = #map}, {transform_indices = #map}, {transform_indices = #map}, {transform_indices = #map}]} {
    %mul3A = arith.constant 2 : i32
    %mul3A_0 = arith.muli %arg1, %mul3A : i32
    %add3A = arith.addi %mul3A_0, %arg0 : i32
    %jit3A = arith.constant 4 : i32
    %div3A = arith.divsi %add3A, %jit3A : i32
    %sign3A = arith.constant 0 : i32
    %sign3A_1 = arith.cmpi sgt, %add3A, %sign3A : i32
    %sign3A_2 = arith.extui %sign3A_1 : i1 to i32
    %sign3A_3 = arith.constant 0 : i32
    %sign3A_4 = arith.cmpi slt, %add3A, %sign3A_3 : i32
    %sign3A_5 = arith.extui %sign3A_4 : i1 to i32
    %sign3A_6 = arith.subi %sign3A_2, %sign3A_5 : i32
    %sign3A_7 = arith.constant 0 : i32
    %sign3A_8 = arith.cmpi sgt, %jit3A, %sign3A_7 : i32
    %sign3A_9 = arith.extui %sign3A_8 : i1 to i32
    %sign3A_10 = arith.constant 0 : i32
    %sign3A_11 = arith.cmpi slt, %jit3A, %sign3A_10 : i32
    %sign3A_12 = arith.extui %sign3A_11 : i1 to i32
    %sign3A_13 = arith.subi %sign3A_9, %sign3A_12 : i32
    %ne3A = arith.cmpi ne, %sign3A_6, %sign3A_13 : i32
    %rem3A = arith.remsi %add3A, %jit3A : i32
    %ne3A_14 = arith.constant 0 : i32
    %ne3A_15 = arith.cmpi ne, %rem3A, %ne3A_14 : i32
    %and3A = arith.andi %ne3A, %ne3A_15 : i1
    %sub3A = arith.constant 1 : i32
    %sub3A_16 = arith.subi %div3A, %sub3A : i32
    %select_n3A = arith.select %and3A, %sub3A_16, %div3A : i32
    %jit3A_17 = arith.constant 4 : i32
    %eq3A = arith.constant 0 : i32
    %eq3A_18 = arith.cmpi eq, %jit3A_17, %eq3A : i32
    %jit3A_19 = arith.constant 1 : i32
    %select_n3A_20 = arith.select %eq3A_18, %jit3A_19, %jit3A_17 : i32
    %rem3A_21 = arith.remsi %add3A, %select_n3A_20 : i32
    %ne3A_22 = arith.constant 0 : i32
    %ne3A_23 = arith.cmpi ne, %rem3A_21, %ne3A_22 : i32
    %lt3A = arith.constant 0 : i32
    %lt3A_24 = arith.cmpi slt, %rem3A_21, %lt3A : i32
    %lt3A_25 = arith.constant 0 : i32
    %lt3A_26 = arith.cmpi slt, %select_n3A_20, %lt3A_25 : i32
    %ne3A_27 = arith.xori %lt3A_24, %lt3A_26 : i1
    %and3A_28 = arith.andi %ne3A_27, %ne3A_23 : i1
    %add3A_29 = arith.addi %rem3A_21, %select_n3A_20 : i32
    %select_n3A_30 = arith.select %and3A_28, %add3A_29, %rem3A_21 : i32
    %mul3A_31 = arith.constant 64 : i32
    %mul3A_32 = arith.muli %select_n3A, %mul3A_31 : i32
    %mul3A_33 = arith.constant 128 : i32
    %mul3A_34 = arith.muli %select_n3A_30, %mul3A_33 : i32
    "tpu.region"() ({
      %run_scoped3A = tpu.sem_alloc : memref<!tpu.dma_semaphore, #tpu.memory_space<semaphore_mem>>
      tpu.enqueue_dma source(%arg4 : memref<8x16xf32, #tpu.memory_space<hbm>>) target(%arg8 : memref<8x16xf32, #tpu.memory_space<vmem>>) target_semaphore(%run_scoped3A : memref<!tpu.dma_semaphore, #tpu.memory_space<semaphore_mem>>)
      tpu.wait_dma2 semaphore(%run_scoped3A : memref<!tpu.dma_semaphore, #tpu.memory_space<semaphore_mem>>) src(%arg4 : memref<8x16xf32, #tpu.memory_space<hbm>>) dst(%arg8 : memref<8x16xf32, #tpu.memory_space<vmem>>)
      tpu.yield
    }) : () -> ()
    %get3A = arith.constant 0 : i32
    %get3A_35 = arith.index_cast %get3A : i32 to index
    %get3A_36 = arith.constant 0 : index
    %get3A_37 = tpu.vector_load %arg8[%get3A_35, %get3A_36] {strides = array<i32>} : memref<8x16xf32, #tpu.memory_space<vmem>>, vector<16xf32>,
    %reduce_max3A = arith.constant true
    %reduce_max3A_38 = vector.broadcast %reduce_max3A : i1 to vector<16xi1>
    %reduce_max3A_39 = tpu.scan <max>, %get3A_37 masked %reduce_max3A_38 : vector<16xf32>, vector<16xi1> -> vector<16xf32>
    %reduce_max3A_40 = vector.extract %reduce_max3A_39[15] : f32 from vector<16xf32>
    %get3A_41 = arith.constant 1 : i32
    %get3A_42 = arith.index_cast %get3A_41 : i32 to index
    %get3A_43 = arith.constant 0 : index
    %get3A_44 = tpu.vector_load %arg8[%get3A_42, %get3A_43] {strides = array<i32>} : memref<8x16xf32, #tpu.memory_space<vmem>>, vector<16xf32>,
    %reduce_max3A_45 = arith.constant true
    %reduce_max3A_46 = vector.broadcast %reduce_max3A_45 : i1 to vector<16xi1>
    %reduce_max3A_47 = tpu.scan <max>, %get3A_44 masked %reduce_max3A_46 : vector<16xf32>, vector<16xi1> -> vector<16xf32>
    %reduce_max3A_48 = vector.extract %reduce_max3A_47[15] : f32 from vector<16xf32>
    %get3A_49 = arith.constant 2 : i32
    %get3A_50 = arith.index_cast %get3A_49 : i32 to index
    %get3A_51 = arith.constant 0 : index
    %get3A_52 = tpu.vector_load %arg8[%get3A_50, %get3A_51] {strides = array<i32>} : memref<8x16xf32, #tpu.memory_space<vmem>>, vector<16xf32>,
    %reduce_max3A_53 = arith.constant true
    %reduce_max3A_54 = vector.broadcast %reduce_max3A_53 : i1 to vector<16xi1>
    %reduce_max3A_55 = tpu.scan <max>, %get3A_52 masked %reduce_max3A_54 : vector<16xf32>, vector<16xi1> -> vector<16xf32>
    %reduce_max3A_56 = vector.extract %reduce_max3A_55[15] : f32 from vector<16xf32>
    %get3A_57 = arith.constant 3 : i32
    %get3A_58 = arith.index_cast %get3A_57 : i32 to index
    %get3A_59 = arith.constant 0 : index
    %get3A_60 = tpu.vector_load %arg8[%get3A_58, %get3A_59] {strides = array<i32>} : memref<8x16xf32, #tpu.memory_space<vmem>>, vector<16xf32>,
    %reduce_max3A_61 = arith.constant true
    %reduce_max3A_62 = vector.broadcast %reduce_max3A_61 : i1 to vector<16xi1>
    %reduce_max3A_63 = tpu.scan <max>, %get3A_60 masked %reduce_max3A_62 : vector<16xf32>, vector<16xi1> -> vector<16xf32>
    %reduce_max3A_64 = vector.extract %reduce_max3A_63[15] : f32 from vector<16xf32>
    %get3A_65 = arith.constant 4 : i32
    %get3A_66 = arith.index_cast %get3A_65 : i32 to index
    %get3A_67 = arith.constant 0 : index
    %get3A_68 = tpu.vector_load %arg8[%get3A_66, %get3A_67] {strides = array<i32>} : memref<8x16xf32, #tpu.memory_space<vmem>>, vector<16xf32>,
    %reduce_max3A_69 = arith.constant true
    %reduce_max3A_70 = vector.broadcast %reduce_max3A_69 : i1 to vector<16xi1>
    %reduce_max3A_71 = tpu.scan <max>, %get3A_68 masked %reduce_max3A_70 : vector<16xf32>, vector<16xi1> -> vector<16xf32>
    %reduce_max3A_72 = vector.extract %reduce_max3A_71[15] : f32 from vector<16xf32>
    %get3A_73 = arith.constant 5 : i32
    %get3A_74 = arith.index_cast %get3A_73 : i32 to index
    %get3A_75 = arith.constant 0 : index
    %get3A_76 = tpu.vector_load %arg8[%get3A_74, %get3A_75] {strides = array<i32>} : memref<8x16xf32, #tpu.memory_space<vmem>>, vector<16xf32>,
    %reduce_max3A_77 = arith.constant true
    %reduce_max3A_78 = vector.broadcast %reduce_max3A_77 : i1 to vector<16xi1>
    %reduce_max3A_79 = tpu.scan <max>, %get3A_76 masked %reduce_max3A_78 : vector<16xf32>, vector<16xi1> -> vector<16xf32>
    %reduce_max3A_80 = vector.extract %reduce_max3A_79[15] : f32 from vector<16xf32>
    %convert_element_type3A = arith.sitofp %mul3A_32 : i32 to f32
    %add3A_81 = arith.constant 64 : i32
    %add3A_82 = arith.addi %mul3A_32, %add3A_81 : i32
    %sub3A_83 = arith.constant 1 : i32
    %sub3A_84 = arith.subi %add3A_82, %sub3A_83 : i32
    %convert_element_type3A_85 = arith.sitofp %sub3A_84 : i32 to f32
    %convert_element_type3A_86 = arith.sitofp %mul3A_34 : i32 to f32
    %add3A_87 = arith.constant 128 : i32
    %add3A_88 = arith.addi %mul3A_34, %add3A_87 : i32
    %sub3A_89 = arith.constant 1 : i32
    %sub3A_90 = arith.subi %add3A_88, %sub3A_89 : i32
    %convert_element_type3A_91 = arith.sitofp %sub3A_90 : i32 to f32
    %mul3A_92 = arith.mulf %reduce_max3A_40, %convert_element_type3A : f32
    %mul3A_93 = arith.mulf %reduce_max3A_48, %convert_element_type3A_86 : f32
    %add3A_94 = arith.addf %mul3A_92, %mul3A_93 : f32
    %mul3A_95 = arith.mulf %reduce_max3A_40, %convert_element_type3A : f32
    %mul3A_96 = arith.mulf %reduce_max3A_48, %convert_element_type3A_91 : f32
    %add3A_97 = arith.addf %mul3A_95, %mul3A_96 : f32
    %min3A = arith.minimumf %add3A_94, %add3A_97 : f32
    %mul3A_98 = arith.mulf %reduce_max3A_40, %convert_element_type3A_85 : f32
    %mul3A_99 = arith.mulf %reduce_max3A_48, %convert_element_type3A_86 : f32
    %add3A_100 = arith.addf %mul3A_98, %mul3A_99 : f32
    %mul3A_101 = arith.mulf %reduce_max3A_40, %convert_element_type3A_85 : f32
    %mul3A_102 = arith.mulf %reduce_max3A_48, %convert_element_type3A_91 : f32
    %add3A_103 = arith.addf %mul3A_101, %mul3A_102 : f32
    %min3A_104 = arith.minimumf %add3A_100, %add3A_103 : f32
    %min3A_105 = arith.minimumf %min3A, %min3A_104 : f32
    %add3A_106 = arith.addf %min3A_105, %reduce_max3A_56 : f32
    %mul3A_107 = arith.mulf %reduce_max3A_64, %convert_element_type3A : f32
    %mul3A_108 = arith.mulf %reduce_max3A_72, %convert_element_type3A_86 : f32
    %add3A_109 = arith.addf %mul3A_107, %mul3A_108 : f32
    %mul3A_110 = arith.mulf %reduce_max3A_64, %convert_element_type3A : f32
    %mul3A_111 = arith.mulf %reduce_max3A_72, %convert_element_type3A_91 : f32
    %add3A_112 = arith.addf %mul3A_110, %mul3A_111 : f32
    %min3A_113 = arith.minimumf %add3A_109, %add3A_112 : f32
    %mul3A_114 = arith.mulf %reduce_max3A_64, %convert_element_type3A_85 : f32
    %mul3A_115 = arith.mulf %reduce_max3A_72, %convert_element_type3A_86 : f32
    %add3A_116 = arith.addf %mul3A_114, %mul3A_115 : f32
    %mul3A_117 = arith.mulf %reduce_max3A_64, %convert_element_type3A_85 : f32
    %mul3A_118 = arith.mulf %reduce_max3A_72, %convert_element_type3A_91 : f32
    %add3A_119 = arith.addf %mul3A_117, %mul3A_118 : f32
    %min3A_120 = arith.minimumf %add3A_116, %add3A_119 : f32
    %min3A_121 = arith.minimumf %min3A_113, %min3A_120 : f32
    %add3A_122 = arith.addf %min3A_121, %reduce_max3A_80 : f32
    %convert_element_type3A_123 = arith.fptosi %add3A_106 : f32 to i32
    %convert_element_type3A_124 = arith.sitofp %convert_element_type3A_123 : i32 to f32
    %gt3A = arith.cmpf ogt, %convert_element_type3A_124, %add3A_106 : f32
    %sub3A_125 = arith.constant 1 : i32
    %sub3A_126 = arith.subi %convert_element_type3A_123, %sub3A_125 : i32
    %select_n3A_127 = arith.select %gt3A, %sub3A_126, %convert_element_type3A_123 : i32
    %sub3A_128 = arith.constant 4 : i32
    %sub3A_129 = arith.subi %select_n3A_127, %sub3A_128 : i32
    %jit3A_130 = arith.constant 0 : i32
    %jit3A_131 = arith.constant 352 : i32
    %max3A = arith.maxsi %jit3A_130, %sub3A_129 : i32
    %min3A_132 = arith.minsi %jit3A_131, %max3A : i32
    %and3A_133 = arith.constant -8 : i32
    %and3A_134 = arith.andi %min3A_132, %and3A_133 : i32
    %multiple_of3A = tpu.assume_multiple %and3A_134, 8 : i32
    %convert_element_type3A_135 = arith.fptosi %add3A_122 : f32 to i32
    %convert_element_type3A_136 = arith.sitofp %convert_element_type3A_135 : i32 to f32
    %gt3A_137 = arith.cmpf ogt, %convert_element_type3A_136, %add3A_122 : f32
    %sub3A_138 = arith.constant 1 : i32
    %sub3A_139 = arith.subi %convert_element_type3A_135, %sub3A_138 : i32
    %select_n3A_140 = arith.select %gt3A_137, %sub3A_139, %convert_element_type3A_135 : i32
    %sub3A_141 = arith.constant 4 : i32
    %sub3A_142 = arith.subi %select_n3A_140, %sub3A_141 : i32
    %jit3A_143 = arith.constant 0 : i32
    %jit3A_144 = arith.constant 128 : i32
    %max3A_145 = arith.maxsi %jit3A_143, %sub3A_142 : i32
    %min3A_146 = arith.minsi %jit3A_144, %max3A_145 : i32
    %and3A_147 = arith.constant -128 : i32
    %and3A_148 = arith.andi %min3A_146, %and3A_147 : i32
    %multiple_of3A_149 = tpu.assume_multiple %and3A_148, 128 : i32
    %dma_start3A = tpu.memref_slice %arg2[%multiple_of3A, %multiple_of3A_149] : memref<512x512xf32, #tpu.memory_space<hbm>> -> memref<160x384xf32, #tpu.memory_space<hbm>>
    %dma_start3A_150 = tpu.memref_slice %arg2[%multiple_of3A, %multiple_of3A_149] : memref<512x512xf32, #tpu.memory_space<hbm>> -> memref<160x384xf32, #tpu.memory_space<hbm>>
    tpu.enqueue_dma source(%dma_start3A_150 : memref<160x384xf32, #tpu.memory_space<hbm>>) target(%arg6 : memref<160x384xf32, #tpu.memory_space<vmem>>) target_semaphore(%arg10 : memref<!tpu.dma_semaphore, #tpu.memory_space<semaphore_mem>>)
    "tpu.region"() ({
      %run_scoped3A = tpu.sem_alloc : memref<!tpu.dma_semaphore, #tpu.memory_space<semaphore_mem>>
      %dma_start3A_509 = tpu.memref_slice %arg3[%mul3A_32, %mul3A_34] : memref<512x512xf32, #tpu.memory_space<hbm>> -> memref<64x128xf32, #tpu.memory_space<hbm>>
      %dma_start3A_510 = tpu.memref_slice %arg3[%mul3A_32, %mul3A_34] : memref<512x512xf32, #tpu.memory_space<hbm>> -> memref<64x128xf32, #tpu.memory_space<hbm>>
      tpu.enqueue_dma source(%dma_start3A_510 : memref<64x128xf32, #tpu.memory_space<hbm>>) target(%arg7 : memref<64x128xf32, #tpu.memory_space<vmem>>) target_semaphore(%run_scoped3A : memref<!tpu.dma_semaphore, #tpu.memory_space<semaphore_mem>>)
      %dma_wait3A_511 = tpu.memref_slice %arg3[%mul3A_32, %mul3A_34] : memref<512x512xf32, #tpu.memory_space<hbm>> -> memref<64x128xf32, #tpu.memory_space<hbm>>
      %dma_wait3A_512 = tpu.memref_slice %arg3[%mul3A_32, %mul3A_34] : memref<512x512xf32, #tpu.memory_space<hbm>> -> memref<64x128xf32, #tpu.memory_space<hbm>>
      tpu.wait_dma2 semaphore(%run_scoped3A : memref<!tpu.dma_semaphore, #tpu.memory_space<semaphore_mem>>) src(%dma_wait3A_512 : memref<64x128xf32, #tpu.memory_space<hbm>>) dst(%arg7 : memref<64x128xf32, #tpu.memory_space<vmem>>)
      tpu.yield
    }) : () -> ()
    %dma_wait3A = tpu.memref_slice %arg2[%multiple_of3A, %multiple_of3A_149] : memref<512x512xf32, #tpu.memory_space<hbm>> -> memref<160x384xf32, #tpu.memory_space<hbm>>
    %dma_wait3A_151 = tpu.memref_slice %arg2[%multiple_of3A, %multiple_of3A_149] : memref<512x512xf32, #tpu.memory_space<hbm>> -> memref<160x384xf32, #tpu.memory_space<hbm>>
    tpu.wait_dma2 semaphore(%arg10 : memref<!tpu.dma_semaphore, #tpu.memory_space<semaphore_mem>>) src(%dma_wait3A_151 : memref<160x384xf32, #tpu.memory_space<hbm>>) dst(%arg6 : memref<160x384xf32, #tpu.memory_space<vmem>>)
    %iota3A = tpu.iota {dimensions = array<i32: 0>} : vector<16xi32>
    %broadcast_in_dim3A = arith.constant 1.000000e+00 : f32
    %broadcast_in_dim3A_152 = vector.broadcast %broadcast_in_dim3A : f32 to vector<16xf32>
    %add3A_153 = arith.constant 0 : i32
    %add3A_154 = arith.addi %mul3A_34, %add3A_153 : i32
    %add3A_155 = vector.broadcast %add3A_154 : i32 to vector<16xi32>
    %add3A_156 = arith.addi %add3A_155, %iota3A : vector<16xi32>
    %convert_element_type3A_157 = arith.sitofp %add3A_156 : vector<16xi32> to vector<16xf32>
    %bitcast3A = vector.bitcast %convert_element_type3A_157 : vector<16xf32> to vector<16xi32>
    %add3A_158 = arith.constant 32767 : i32
    %add3A_159 = vector.broadcast %add3A_158 : i32 to vector<16xi32>
    %add3A_160 = arith.addi %bitcast3A, %add3A_159 : vector<16xi32>
    %shift_right_arithmetic3A = arith.constant 16 : i32
    %shift_right_arithmetic3A_161 = vector.broadcast %shift_right_arithmetic3A : i32 to vector<16xi32>
    %shift_right_arithmetic3A_162 = arith.shrsi %bitcast3A, %shift_right_arithmetic3A_161 : vector<16xi32>
    %and3A_163 = arith.constant 1 : i32
    %and3A_164 = vector.broadcast %and3A_163 : i32 to vector<16xi32>
    %and3A_165 = arith.andi %shift_right_arithmetic3A_162, %and3A_164 : vector<16xi32>
    %add3A_166 = arith.addi %add3A_160, %and3A_165 : vector<16xi32>
    %and3A_167 = arith.constant -65536 : i32
    %and3A_168 = vector.broadcast %and3A_167 : i32 to vector<16xi32>
    %and3A_169 = arith.andi %add3A_166, %and3A_168 : vector<16xi32>
    %bitcast3A_170 = vector.bitcast %and3A_169 : vector<16xi32> to vector<16xf32>
    %mul3A_171 = vector.broadcast %reduce_max3A_48 : f32 to vector<16xf32>
    %mul3A_172 = arith.mulf %bitcast3A_170, %mul3A_171 : vector<16xf32>
    %add3A_173 = arith.constant 16 : i32
    %add3A_174 = arith.addi %mul3A_34, %add3A_173 : i32
    %add3A_175 = vector.broadcast %add3A_174 : i32 to vector<16xi32>
    %add3A_176 = arith.addi %add3A_175, %iota3A : vector<16xi32>
    %convert_element_type3A_177 = arith.sitofp %add3A_176 : vector<16xi32> to vector<16xf32>
    %bitcast3A_178 = vector.bitcast %convert_element_type3A_177 : vector<16xf32> to vector<16xi32>
    %add3A_179 = arith.constant 32767 : i32
    %add3A_180 = vector.broadcast %add3A_179 : i32 to vector<16xi32>
    %add3A_181 = arith.addi %bitcast3A_178, %add3A_180 : vector<16xi32>
    %shift_right_arithmetic3A_182 = arith.constant 16 : i32
    %shift_right_arithmetic3A_183 = vector.broadcast %shift_right_arithmetic3A_182 : i32 to vector<16xi32>
    %shift_right_arithmetic3A_184 = arith.shrsi %bitcast3A_178, %shift_right_arithmetic3A_183 : vector<16xi32>
    %and3A_185 = arith.constant 1 : i32
    %and3A_186 = vector.broadcast %and3A_185 : i32 to vector<16xi32>
    %and3A_187 = arith.andi %shift_right_arithmetic3A_184, %and3A_186 : vector<16xi32>
    %add3A_188 = arith.addi %add3A_181, %and3A_187 : vector<16xi32>
    %and3A_189 = arith.constant -65536 : i32
    %and3A_190 = vector.broadcast %and3A_189 : i32 to vector<16xi32>
    %and3A_191 = arith.andi %add3A_188, %and3A_190 : vector<16xi32>
    %bitcast3A_192 = vector.bitcast %and3A_191 : vector<16xi32> to vector<16xf32>
    %mul3A_193 = vector.broadcast %reduce_max3A_48 : f32 to vector<16xf32>
    %mul3A_194 = arith.mulf %bitcast3A_192, %mul3A_193 : vector<16xf32>
    %add3A_195 = arith.constant 32 : i32
    %add3A_196 = arith.addi %mul3A_34, %add3A_195 : i32
    %add3A_197 = vector.broadcast %add3A_196 : i32 to vector<16xi32>
    %add3A_198 = arith.addi %add3A_197, %iota3A : vector<16xi32>
    %convert_element_type3A_199 = arith.sitofp %add3A_198 : vector<16xi32> to vector<16xf32>
    %bitcast3A_200 = vector.bitcast %convert_element_type3A_199 : vector<16xf32> to vector<16xi32>
    %add3A_201 = arith.constant 32767 : i32
    %add3A_202 = vector.broadcast %add3A_201 : i32 to vector<16xi32>
    %add3A_203 = arith.addi %bitcast3A_200, %add3A_202 : vector<16xi32>
    %shift_right_arithmetic3A_204 = arith.constant 16 : i32
    %shift_right_arithmetic3A_205 = vector.broadcast %shift_right_arithmetic3A_204 : i32 to vector<16xi32>
    %shift_right_arithmetic3A_206 = arith.shrsi %bitcast3A_200, %shift_right_arithmetic3A_205 : vector<16xi32>
    %and3A_207 = arith.constant 1 : i32
    %and3A_208 = vector.broadcast %and3A_207 : i32 to vector<16xi32>
    %and3A_209 = arith.andi %shift_right_arithmetic3A_206, %and3A_208 : vector<16xi32>
    %add3A_210 = arith.addi %add3A_203, %and3A_209 : vector<16xi32>
    %and3A_211 = arith.constant -65536 : i32
    %and3A_212 = vector.broadcast %and3A_211 : i32 to vector<16xi32>
    %and3A_213 = arith.andi %add3A_210, %and3A_212 : vector<16xi32>
    %bitcast3A_214 = vector.bitcast %and3A_213 : vector<16xi32> to vector<16xf32>
    %mul3A_215 = vector.broadcast %reduce_max3A_48 : f32 to vector<16xf32>
    %mul3A_216 = arith.mulf %bitcast3A_214, %mul3A_215 : vector<16xf32>
    %add3A_217 = arith.constant 48 : i32
    %add3A_218 = arith.addi %mul3A_34, %add3A_217 : i32
    %add3A_219 = vector.broadcast %add3A_218 : i32 to vector<16xi32>
    %add3A_220 = arith.addi %add3A_219, %iota3A : vector<16xi32>
    %convert_element_type3A_221 = arith.sitofp %add3A_220 : vector<16xi32> to vector<16xf32>
    %bitcast3A_222 = vector.bitcast %convert_element_type3A_221 : vector<16xf32> to vector<16xi32>
    %add3A_223 = arith.constant 32767 : i32
    %add3A_224 = vector.broadcast %add3A_223 : i32 to vector<16xi32>
    %add3A_225 = arith.addi %bitcast3A_222, %add3A_224 : vector<16xi32>
    %shift_right_arithmetic3A_226 = arith.constant 16 : i32
    %shift_right_arithmetic3A_227 = vector.broadcast %shift_right_arithmetic3A_226 : i32 to vector<16xi32>
    %shift_right_arithmetic3A_228 = arith.shrsi %bitcast3A_222, %shift_right_arithmetic3A_227 : vector<16xi32>
    %and3A_229 = arith.constant 1 : i32
    %and3A_230 = vector.broadcast %and3A_229 : i32 to vector<16xi32>
    %and3A_231 = arith.andi %shift_right_arithmetic3A_228, %and3A_230 : vector<16xi32>
    %add3A_232 = arith.addi %add3A_225, %and3A_231 : vector<16xi32>
    %and3A_233 = arith.constant -65536 : i32
    %and3A_234 = vector.broadcast %and3A_233 : i32 to vector<16xi32>
    %and3A_235 = arith.andi %add3A_232, %and3A_234 : vector<16xi32>
    %bitcast3A_236 = vector.bitcast %and3A_235 : vector<16xi32> to vector<16xf32>
    %mul3A_237 = vector.broadcast %reduce_max3A_48 : f32 to vector<16xf32>
    %mul3A_238 = arith.mulf %bitcast3A_236, %mul3A_237 : vector<16xf32>
    %add3A_239 = arith.constant 64 : i32
    %add3A_240 = arith.addi %mul3A_34, %add3A_239 : i32
    %add3A_241 = vector.broadcast %add3A_240 : i32 to vector<16xi32>
    %add3A_242 = arith.addi %add3A_241, %iota3A : vector<16xi32>
    %convert_element_type3A_243 = arith.sitofp %add3A_242 : vector<16xi32> to vector<16xf32>
    %bitcast3A_244 = vector.bitcast %convert_element_type3A_243 : vector<16xf32> to vector<16xi32>
    %add3A_245 = arith.constant 32767 : i32
    %add3A_246 = vector.broadcast %add3A_245 : i32 to vector<16xi32>
    %add3A_247 = arith.addi %bitcast3A_244, %add3A_246 : vector<16xi32>
    %shift_right_arithmetic3A_248 = arith.constant 16 : i32
    %shift_right_arithmetic3A_249 = vector.broadcast %shift_right_arithmetic3A_248 : i32 to vector<16xi32>
    %shift_right_arithmetic3A_250 = arith.shrsi %bitcast3A_244, %shift_right_arithmetic3A_249 : vector<16xi32>
    %and3A_251 = arith.constant 1 : i32
    %and3A_252 = vector.broadcast %and3A_251 : i32 to vector<16xi32>
    %and3A_253 = arith.andi %shift_right_arithmetic3A_250, %and3A_252 : vector<16xi32>
    %add3A_254 = arith.addi %add3A_247, %and3A_253 : vector<16xi32>
    %and3A_255 = arith.constant -65536 : i32
    %and3A_256 = vector.broadcast %and3A_255 : i32 to vector<16xi32>
    %and3A_257 = arith.andi %add3A_254, %and3A_256 : vector<16xi32>
    %bitcast3A_258 = vector.bitcast %and3A_257 : vector<16xi32> to vector<16xf32>
    %mul3A_259 = vector.broadcast %reduce_max3A_48 : f32 to vector<16xf32>
    %mul3A_260 = arith.mulf %bitcast3A_258, %mul3A_259 : vector<16xf32>
    %add3A_261 = arith.constant 80 : i32
    %add3A_262 = arith.addi %mul3A_34, %add3A_261 : i32
    %add3A_263 = vector.broadcast %add3A_262 : i32 to vector<16xi32>
    %add3A_264 = arith.addi %add3A_263, %iota3A : vector<16xi32>
    %convert_element_type3A_265 = arith.sitofp %add3A_264 : vector<16xi32> to vector<16xf32>
    %bitcast3A_266 = vector.bitcast %convert_element_type3A_265 : vector<16xf32> to vector<16xi32>
    %add3A_267 = arith.constant 32767 : i32
    %add3A_268 = vector.broadcast %add3A_267 : i32 to vector<16xi32>
    %add3A_269 = arith.addi %bitcast3A_266, %add3A_268 : vector<16xi32>
    %shift_right_arithmetic3A_270 = arith.constant 16 : i32
    %shift_right_arithmetic3A_271 = vector.broadcast %shift_right_arithmetic3A_270 : i32 to vector<16xi32>
    %shift_right_arithmetic3A_272 = arith.shrsi %bitcast3A_266, %shift_right_arithmetic3A_271 : vector<16xi32>
    %and3A_273 = arith.constant 1 : i32
    %and3A_274 = vector.broadcast %and3A_273 : i32 to vector<16xi32>
    %and3A_275 = arith.andi %shift_right_arithmetic3A_272, %and3A_274 : vector<16xi32>
    %add3A_276 = arith.addi %add3A_269, %and3A_275 : vector<16xi32>
    %and3A_277 = arith.constant -65536 : i32
    %and3A_278 = vector.broadcast %and3A_277 : i32 to vector<16xi32>
    %and3A_279 = arith.andi %add3A_276, %and3A_278 : vector<16xi32>
    %bitcast3A_280 = vector.bitcast %and3A_279 : vector<16xi32> to vector<16xf32>
    %mul3A_281 = vector.broadcast %reduce_max3A_48 : f32 to vector<16xf32>
    %mul3A_282 = arith.mulf %bitcast3A_280, %mul3A_281 : vector<16xf32>
    %add3A_283 = arith.constant 96 : i32
    %add3A_284 = arith.addi %mul3A_34, %add3A_283 : i32
    %add3A_285 = vector.broadcast %add3A_284 : i32 to vector<16xi32>
    %add3A_286 = arith.addi %add3A_285, %iota3A : vector<16xi32>
    %convert_element_type3A_287 = arith.sitofp %add3A_286 : vector<16xi32> to vector<16xf32>
    %bitcast3A_288 = vector.bitcast %convert_element_type3A_287 : vector<16xf32> to vector<16xi32>
    %add3A_289 = arith.constant 32767 : i32
    %add3A_290 = vector.broadcast %add3A_289 : i32 to vector<16xi32>
    %add3A_291 = arith.addi %bitcast3A_288, %add3A_290 : vector<16xi32>
    %shift_right_arithmetic3A_292 = arith.constant 16 : i32
    %shift_right_arithmetic3A_293 = vector.broadcast %shift_right_arithmetic3A_292 : i32 to vector<16xi32>
    %shift_right_arithmetic3A_294 = arith.shrsi %bitcast3A_288, %shift_right_arithmetic3A_293 : vector<16xi32>
    %and3A_295 = arith.constant 1 : i32
    %and3A_296 = vector.broadcast %and3A_295 : i32 to vector<16xi32>
    %and3A_297 = arith.andi %shift_right_arithmetic3A_294, %and3A_296 : vector<16xi32>
    %add3A_298 = arith.addi %add3A_291, %and3A_297 : vector<16xi32>
    %and3A_299 = arith.constant -65536 : i32
    %and3A_300 = vector.broadcast %and3A_299 : i32 to vector<16xi32>
    %and3A_301 = arith.andi %add3A_298, %and3A_300 : vector<16xi32>
    %bitcast3A_302 = vector.bitcast %and3A_301 : vector<16xi32> to vector<16xf32>
    %mul3A_303 = vector.broadcast %reduce_max3A_48 : f32 to vector<16xf32>
    %mul3A_304 = arith.mulf %bitcast3A_302, %mul3A_303 : vector<16xf32>
    %add3A_305 = arith.constant 112 : i32
    %add3A_306 = arith.addi %mul3A_34, %add3A_305 : i32
    %add3A_307 = vector.broadcast %add3A_306 : i32 to vector<16xi32>
    %add3A_308 = arith.addi %add3A_307, %iota3A : vector<16xi32>
    %convert_element_type3A_309 = arith.sitofp %add3A_308 : vector<16xi32> to vector<16xf32>
    %bitcast3A_310 = vector.bitcast %convert_element_type3A_309 : vector<16xf32> to vector<16xi32>
    %add3A_311 = arith.constant 32767 : i32
    %add3A_312 = vector.broadcast %add3A_311 : i32 to vector<16xi32>
    %add3A_313 = arith.addi %bitcast3A_310, %add3A_312 : vector<16xi32>
    %shift_right_arithmetic3A_314 = arith.constant 16 : i32
    %shift_right_arithmetic3A_315 = vector.broadcast %shift_right_arithmetic3A_314 : i32 to vector<16xi32>
    %shift_right_arithmetic3A_316 = arith.shrsi %bitcast3A_310, %shift_right_arithmetic3A_315 : vector<16xi32>
    %and3A_317 = arith.constant 1 : i32
    %and3A_318 = vector.broadcast %and3A_317 : i32 to vector<16xi32>
    %and3A_319 = arith.andi %shift_right_arithmetic3A_316, %and3A_318 : vector<16xi32>
    %add3A_320 = arith.addi %add3A_313, %and3A_319 : vector<16xi32>
    %and3A_321 = arith.constant -65536 : i32
    %and3A_322 = vector.broadcast %and3A_321 : i32 to vector<16xi32>
    %and3A_323 = arith.andi %add3A_320, %and3A_322 : vector<16xi32>
    %bitcast3A_324 = vector.bitcast %and3A_323 : vector<16xi32> to vector<16xf32>
    %mul3A_325 = vector.broadcast %reduce_max3A_48 : f32 to vector<16xf32>
    %mul3A_326 = arith.mulf %bitcast3A_324, %mul3A_325 : vector<16xf32>
    %add3A_327 = arith.constant 0 : i32
    %add3A_328 = arith.addi %mul3A_34, %add3A_327 : i32
    %add3A_329 = vector.broadcast %add3A_328 : i32 to vector<16xi32>
    %add3A_330 = arith.addi %add3A_329, %iota3A : vector<16xi32>
    %convert_element_type3A_331 = arith.sitofp %add3A_330 : vector<16xi32> to vector<16xf32>
    %bitcast3A_332 = vector.bitcast %convert_element_type3A_331 : vector<16xf32> to vector<16xi32>
    %add3A_333 = arith.constant 32767 : i32
    %add3A_334 = vector.broadcast %add3A_333 : i32 to vector<16xi32>
    %add3A_335 = arith.addi %bitcast3A_332, %add3A_334 : vector<16xi32>
    %shift_right_arithmetic3A_336 = arith.constant 16 : i32
    %shift_right_arithmetic3A_337 = vector.broadcast %shift_right_arithmetic3A_336 : i32 to vector<16xi32>
    %shift_right_arithmetic3A_338 = arith.shrsi %bitcast3A_332, %shift_right_arithmetic3A_337 : vector<16xi32>
    %and3A_339 = arith.constant 1 : i32
    %and3A_340 = vector.broadcast %and3A_339 : i32 to vector<16xi32>
    %and3A_341 = arith.andi %shift_right_arithmetic3A_338, %and3A_340 : vector<16xi32>
    %add3A_342 = arith.addi %add3A_335, %and3A_341 : vector<16xi32>
    %and3A_343 = arith.constant -65536 : i32
    %and3A_344 = vector.broadcast %and3A_343 : i32 to vector<16xi32>
    %and3A_345 = arith.andi %add3A_342, %and3A_344 : vector<16xi32>
    %bitcast3A_346 = vector.bitcast %and3A_345 : vector<16xi32> to vector<16xf32>
    %mul3A_347 = vector.broadcast %reduce_max3A_72 : f32 to vector<16xf32>
    %mul3A_348 = arith.mulf %bitcast3A_346, %mul3A_347 : vector<16xf32>
    %add3A_349 = arith.constant 16 : i32
    %add3A_350 = arith.addi %mul3A_34, %add3A_349 : i32
    %add3A_351 = vector.broadcast %add3A_350 : i32 to vector<16xi32>
    %add3A_352 = arith.addi %add3A_351, %iota3A : vector<16xi32>
    %convert_element_type3A_353 = arith.sitofp %add3A_352 : vector<16xi32> to vector<16xf32>
    %bitcast3A_354 = vector.bitcast %convert_element_type3A_353 : vector<16xf32> to vector<16xi32>
    %add3A_355 = arith.constant 32767 : i32
    %add3A_356 = vector.broadcast %add3A_355 : i32 to vector<16xi32>
    %add3A_357 = arith.addi %bitcast3A_354, %add3A_356 : vector<16xi32>
    %shift_right_arithmetic3A_358 = arith.constant 16 : i32
    %shift_right_arithmetic3A_359 = vector.broadcast %shift_right_arithmetic3A_358 : i32 to vector<16xi32>
    %shift_right_arithmetic3A_360 = arith.shrsi %bitcast3A_354, %shift_right_arithmetic3A_359 : vector<16xi32>
    %and3A_361 = arith.constant 1 : i32
    %and3A_362 = vector.broadcast %and3A_361 : i32 to vector<16xi32>
    %and3A_363 = arith.andi %shift_right_arithmetic3A_360, %and3A_362 : vector<16xi32>
    %add3A_364 = arith.addi %add3A_357, %and3A_363 : vector<16xi32>
    %and3A_365 = arith.constant -65536 : i32
    %and3A_366 = vector.broadcast %and3A_365 : i32 to vector<16xi32>
    %and3A_367 = arith.andi %add3A_364, %and3A_366 : vector<16xi32>
    %bitcast3A_368 = vector.bitcast %and3A_367 : vector<16xi32> to vector<16xf32>
    %mul3A_369 = vector.broadcast %reduce_max3A_72 : f32 to vector<16xf32>
    %mul3A_370 = arith.mulf %bitcast3A_368, %mul3A_369 : vector<16xf32>
    %add3A_371 = arith.constant 32 : i32
    %add3A_372 = arith.addi %mul3A_34, %add3A_371 : i32
    %add3A_373 = vector.broadcast %add3A_372 : i32 to vector<16xi32>
    %add3A_374 = arith.addi %add3A_373, %iota3A : vector<16xi32>
    %convert_element_type3A_375 = arith.sitofp %add3A_374 : vector<16xi32> to vector<16xf32>
    %bitcast3A_376 = vector.bitcast %convert_element_type3A_375 : vector<16xf32> to vector<16xi32>
    %add3A_377 = arith.constant 32767 : i32
    %add3A_378 = vector.broadcast %add3A_377 : i32 to vector<16xi32>
    %add3A_379 = arith.addi %bitcast3A_376, %add3A_378 : vector<16xi32>
    %shift_right_arithmetic3A_380 = arith.constant 16 : i32
    %shift_right_arithmetic3A_381 = vector.broadcast %shift_right_arithmetic3A_380 : i32 to vector<16xi32>
    %shift_right_arithmetic3A_382 = arith.shrsi %bitcast3A_376, %shift_right_arithmetic3A_381 : vector<16xi32>
    %and3A_383 = arith.constant 1 : i32
    %and3A_384 = vector.broadcast %and3A_383 : i32 to vector<16xi32>
    %and3A_385 = arith.andi %shift_right_arithmetic3A_382, %and3A_384 : vector<16xi32>
    %add3A_386 = arith.addi %add3A_379, %and3A_385 : vector<16xi32>
    %and3A_387 = arith.constant -65536 : i32
    %and3A_388 = vector.broadcast %and3A_387 : i32 to vector<16xi32>
    %and3A_389 = arith.andi %add3A_386, %and3A_388 : vector<16xi32>
    %bitcast3A_390 = vector.bitcast %and3A_389 : vector<16xi32> to vector<16xf32>
    %mul3A_391 = vector.broadcast %reduce_max3A_72 : f32 to vector<16xf32>
    %mul3A_392 = arith.mulf %bitcast3A_390, %mul3A_391 : vector<16xf32>
    %add3A_393 = arith.constant 48 : i32
    %add3A_394 = arith.addi %mul3A_34, %add3A_393 : i32
    %add3A_395 = vector.broadcast %add3A_394 : i32 to vector<16xi32>
    %add3A_396 = arith.addi %add3A_395, %iota3A : vector<16xi32>
    %convert_element_type3A_397 = arith.sitofp %add3A_396 : vector<16xi32> to vector<16xf32>
    %bitcast3A_398 = vector.bitcast %convert_element_type3A_397 : vector<16xf32> to vector<16xi32>
    %add3A_399 = arith.constant 32767 : i32
    %add3A_400 = vector.broadcast %add3A_399 : i32 to vector<16xi32>
    %add3A_401 = arith.addi %bitcast3A_398, %add3A_400 : vector<16xi32>
    %shift_right_arithmetic3A_402 = arith.constant 16 : i32
    %shift_right_arithmetic3A_403 = vector.broadcast %shift_right_arithmetic3A_402 : i32 to vector<16xi32>
    %shift_right_arithmetic3A_404 = arith.shrsi %bitcast3A_398, %shift_right_arithmetic3A_403 : vector<16xi32>
    %and3A_405 = arith.constant 1 : i32
    %and3A_406 = vector.broadcast %and3A_405 : i32 to vector<16xi32>
    %and3A_407 = arith.andi %shift_right_arithmetic3A_404, %and3A_406 : vector<16xi32>
    %add3A_408 = arith.addi %add3A_401, %and3A_407 : vector<16xi32>
    %and3A_409 = arith.constant -65536 : i32
    %and3A_410 = vector.broadcast %and3A_409 : i32 to vector<16xi32>
    %and3A_411 = arith.andi %add3A_408, %and3A_410 : vector<16xi32>
    %bitcast3A_412 = vector.bitcast %and3A_411 : vector<16xi32> to vector<16xf32>
    %mul3A_413 = vector.broadcast %reduce_max3A_72 : f32 to vector<16xf32>
    %mul3A_414 = arith.mulf %bitcast3A_412, %mul3A_413 : vector<16xf32>
    %add3A_415 = arith.constant 64 : i32
    %add3A_416 = arith.addi %mul3A_34, %add3A_415 : i32
    %add3A_417 = vector.broadcast %add3A_416 : i32 to vector<16xi32>
    %add3A_418 = arith.addi %add3A_417, %iota3A : vector<16xi32>
    %convert_element_type3A_419 = arith.sitofp %add3A_418 : vector<16xi32> to vector<16xf32>
    %bitcast3A_420 = vector.bitcast %convert_element_type3A_419 : vector<16xf32> to vector<16xi32>
    %add3A_421 = arith.constant 32767 : i32
    %add3A_422 = vector.broadcast %add3A_421 : i32 to vector<16xi32>
    %add3A_423 = arith.addi %bitcast3A_420, %add3A_422 : vector<16xi32>
    %shift_right_arithmetic3A_424 = arith.constant 16 : i32
    %shift_right_arithmetic3A_425 = vector.broadcast %shift_right_arithmetic3A_424 : i32 to vector<16xi32>
    %shift_right_arithmetic3A_426 = arith.shrsi %bitcast3A_420, %shift_right_arithmetic3A_425 : vector<16xi32>
    %and3A_427 = arith.constant 1 : i32
    %and3A_428 = vector.broadcast %and3A_427 : i32 to vector<16xi32>
    %and3A_429 = arith.andi %shift_right_arithmetic3A_426, %and3A_428 : vector<16xi32>
    %add3A_430 = arith.addi %add3A_423, %and3A_429 : vector<16xi32>
    %and3A_431 = arith.constant -65536 : i32
    %and3A_432 = vector.broadcast %and3A_431 : i32 to vector<16xi32>
    %and3A_433 = arith.andi %add3A_430, %and3A_432 : vector<16xi32>
    %bitcast3A_434 = vector.bitcast %and3A_433 : vector<16xi32> to vector<16xf32>
    %mul3A_435 = vector.broadcast %reduce_max3A_72 : f32 to vector<16xf32>
    %mul3A_436 = arith.mulf %bitcast3A_434, %mul3A_435 : vector<16xf32>
    %add3A_437 = arith.constant 80 : i32
    %add3A_438 = arith.addi %mul3A_34, %add3A_437 : i32
    %add3A_439 = vector.broadcast %add3A_438 : i32 to vector<16xi32>
    %add3A_440 = arith.addi %add3A_439, %iota3A : vector<16xi32>
    %convert_element_type3A_441 = arith.sitofp %add3A_440 : vector<16xi32> to vector<16xf32>
    %bitcast3A_442 = vector.bitcast %convert_element_type3A_441 : vector<16xf32> to vector<16xi32>
    %add3A_443 = arith.constant 32767 : i32
    %add3A_444 = vector.broadcast %add3A_443 : i32 to vector<16xi32>
    %add3A_445 = arith.addi %bitcast3A_442, %add3A_444 : vector<16xi32>
    %shift_right_arithmetic3A_446 = arith.constant 16 : i32
    %shift_right_arithmetic3A_447 = vector.broadcast %shift_right_arithmetic3A_446 : i32 to vector<16xi32>
    %shift_right_arithmetic3A_448 = arith.shrsi %bitcast3A_442, %shift_right_arithmetic3A_447 : vector<16xi32>
    %and3A_449 = arith.constant 1 : i32
    %and3A_450 = vector.broadcast %and3A_449 : i32 to vector<16xi32>
    %and3A_451 = arith.andi %shift_right_arithmetic3A_448, %and3A_450 : vector<16xi32>
    %add3A_452 = arith.addi %add3A_445, %and3A_451 : vector<16xi32>
    %and3A_453 = arith.constant -65536 : i32
    %and3A_454 = vector.broadcast %and3A_453 : i32 to vector<16xi32>
    %and3A_455 = arith.andi %add3A_452, %and3A_454 : vector<16xi32>
    %bitcast3A_456 = vector.bitcast %and3A_455 : vector<16xi32> to vector<16xf32>
    %mul3A_457 = vector.broadcast %reduce_max3A_72 : f32 to vector<16xf32>
    %mul3A_458 = arith.mulf %bitcast3A_456, %mul3A_457 : vector<16xf32>
    %add3A_459 = arith.constant 96 : i32
    %add3A_460 = arith.addi %mul3A_34, %add3A_459 : i32
    %add3A_461 = vector.broadcast %add3A_460 : i32 to vector<16xi32>
    %add3A_462 = arith.addi %add3A_461, %iota3A : vector<16xi32>
    %convert_element_type3A_463 = arith.sitofp %add3A_462 : vector<16xi32> to vector<16xf32>
    %bitcast3A_464 = vector.bitcast %convert_element_type3A_463 : vector<16xf32> to vector<16xi32>
    %add3A_465 = arith.constant 32767 : i32
    %add3A_466 = vector.broadcast %add3A_465 : i32 to vector<16xi32>
    %add3A_467 = arith.addi %bitcast3A_464, %add3A_466 : vector<16xi32>
    %shift_right_arithmetic3A_468 = arith.constant 16 : i32
    %shift_right_arithmetic3A_469 = vector.broadcast %shift_right_arithmetic3A_468 : i32 to vector<16xi32>
    %shift_right_arithmetic3A_470 = arith.shrsi %bitcast3A_464, %shift_right_arithmetic3A_469 : vector<16xi32>
    %and3A_471 = arith.constant 1 : i32
    %and3A_472 = vector.broadcast %and3A_471 : i32 to vector<16xi32>
    %and3A_473 = arith.andi %shift_right_arithmetic3A_470, %and3A_472 : vector<16xi32>
    %add3A_474 = arith.addi %add3A_467, %and3A_473 : vector<16xi32>
    %and3A_475 = arith.constant -65536 : i32
    %and3A_476 = vector.broadcast %and3A_475 : i32 to vector<16xi32>
    %and3A_477 = arith.andi %add3A_474, %and3A_476 : vector<16xi32>
    %bitcast3A_478 = vector.bitcast %and3A_477 : vector<16xi32> to vector<16xf32>
    %mul3A_479 = vector.broadcast %reduce_max3A_72 : f32 to vector<16xf32>
    %mul3A_480 = arith.mulf %bitcast3A_478, %mul3A_479 : vector<16xf32>
    %add3A_481 = arith.constant 112 : i32
    %add3A_482 = arith.addi %mul3A_34, %add3A_481 : i32
    %add3A_483 = vector.broadcast %add3A_482 : i32 to vector<16xi32>
    %add3A_484 = arith.addi %add3A_483, %iota3A : vector<16xi32>
    %convert_element_type3A_485 = arith.sitofp %add3A_484 : vector<16xi32> to vector<16xf32>
    %bitcast3A_486 = vector.bitcast %convert_element_type3A_485 : vector<16xf32> to vector<16xi32>
    %add3A_487 = arith.constant 32767 : i32
    %add3A_488 = vector.broadcast %add3A_487 : i32 to vector<16xi32>
    %add3A_489 = arith.addi %bitcast3A_486, %add3A_488 : vector<16xi32>
    %shift_right_arithmetic3A_490 = arith.constant 16 : i32
    %shift_right_arithmetic3A_491 = vector.broadcast %shift_right_arithmetic3A_490 : i32 to vector<16xi32>
    %shift_right_arithmetic3A_492 = arith.shrsi %bitcast3A_486, %shift_right_arithmetic3A_491 : vector<16xi32>
    %and3A_493 = arith.constant 1 : i32
    %and3A_494 = vector.broadcast %and3A_493 : i32 to vector<16xi32>
    %and3A_495 = arith.andi %shift_right_arithmetic3A_492, %and3A_494 : vector<16xi32>
    %add3A_496 = arith.addi %add3A_489, %and3A_495 : vector<16xi32>
    %and3A_497 = arith.constant -65536 : i32
    %and3A_498 = vector.broadcast %and3A_497 : i32 to vector<16xi32>
    %and3A_499 = arith.andi %add3A_496, %and3A_498 : vector<16xi32>
    %bitcast3A_500 = vector.bitcast %and3A_499 : vector<16xi32> to vector<16xf32>
    %mul3A_501 = vector.broadcast %reduce_max3A_72 : f32 to vector<16xf32>
    %mul3A_502 = arith.mulf %bitcast3A_500, %mul3A_501 : vector<16xf32>
    %broadcast_in_dim3A_503 = arith.constant 0.000000e+00 : f32
    %broadcast_in_dim3A_504 = vector.broadcast %broadcast_in_dim3A_503 : f32 to vector<16xf32>
    %parallel_loop3A = arith.constant 0 : i32
    %parallel_loop3A_505 = arith.constant 64 : i32
    %parallel_loop3A_506 = arith.constant 1 : i32
    %parallel_loop3A_507 = scf.for %parallel_loop3A_509 = %parallel_loop3A to %parallel_loop3A_505 step %parallel_loop3A_506 iter_args(%parallel_loop3A_510 = %broadcast_in_dim3A_504) -> (vector<16xf32>)  : i32 {
      %parallel_loop3A_511 = arith.addi %mul3A_32, %parallel_loop3A_509 : i32
      %parallel_loop3A_512 = arith.sitofp %parallel_loop3A_511 : i32 to f32
      %parallel_loop3A_513 = vector.broadcast %parallel_loop3A_512 : f32 to vector<16xf32>
      %parallel_loop3A_514 = vector.bitcast %parallel_loop3A_513 : vector<16xf32> to vector<16xi32>
      %parallel_loop3A_515 = arith.constant 32767 : i32
      %parallel_loop3A_516 = vector.broadcast %parallel_loop3A_515 : i32 to vector<16xi32>
      %parallel_loop3A_517 = arith.addi %parallel_loop3A_514, %parallel_loop3A_516 : vector<16xi32>
      %parallel_loop3A_518 = arith.constant 16 : i32
      %parallel_loop3A_519 = vector.broadcast %parallel_loop3A_518 : i32 to vector<16xi32>
      %parallel_loop3A_520 = arith.shrsi %parallel_loop3A_514, %parallel_loop3A_519 : vector<16xi32>
      %parallel_loop3A_521 = arith.constant 1 : i32
      %parallel_loop3A_522 = vector.broadcast %parallel_loop3A_521 : i32 to vector<16xi32>
      %parallel_loop3A_523 = arith.andi %parallel_loop3A_520, %parallel_loop3A_522 : vector<16xi32>
      %parallel_loop3A_524 = arith.addi %parallel_loop3A_517, %parallel_loop3A_523 : vector<16xi32>
      %parallel_loop3A_525 = arith.constant -65536 : i32
      %parallel_loop3A_526 = vector.broadcast %parallel_loop3A_525 : i32 to vector<16xi32>
      %parallel_loop3A_527 = arith.andi %parallel_loop3A_524, %parallel_loop3A_526 : vector<16xi32>
      %parallel_loop3A_528 = vector.bitcast %parallel_loop3A_527 : vector<16xi32> to vector<16xf32>
      %parallel_loop3A_529 = vector.broadcast %reduce_max3A_40 : f32 to vector<16xf32>
      %parallel_loop3A_530 = arith.mulf %parallel_loop3A_528, %parallel_loop3A_529 : vector<16xf32>
      %parallel_loop3A_531 = vector.broadcast %reduce_max3A_56 : f32 to vector<16xf32>
      %parallel_loop3A_532 = arith.addf %parallel_loop3A_530, %parallel_loop3A_531 : vector<16xf32>
      %parallel_loop3A_533 = vector.broadcast %reduce_max3A_64 : f32 to vector<16xf32>
      %parallel_loop3A_534 = arith.mulf %parallel_loop3A_528, %parallel_loop3A_533 : vector<16xf32>
      %parallel_loop3A_535 = vector.broadcast %reduce_max3A_80 : f32 to vector<16xf32>
      %parallel_loop3A_536 = arith.addf %parallel_loop3A_534, %parallel_loop3A_535 : vector<16xf32>
      %parallel_loop3A_537 = arith.addf %parallel_loop3A_532, %mul3A_172 : vector<16xf32>
      %parallel_loop3A_538 = arith.addf %parallel_loop3A_536, %mul3A_348 : vector<16xf32>
      %parallel_loop3A_539 = arith.fptosi %parallel_loop3A_537 : vector<16xf32> to vector<16xi32>
      %parallel_loop3A_540 = arith.sitofp %parallel_loop3A_539 : vector<16xi32> to vector<16xf32>
      %parallel_loop3A_541 = arith.cmpf ogt, %parallel_loop3A_540, %parallel_loop3A_537 : vector<16xf32>
      %parallel_loop3A_542 = arith.constant 1 : i32
      %parallel_loop3A_543 = vector.broadcast %parallel_loop3A_542 : i32 to vector<16xi32>
      %parallel_loop3A_544 = arith.subi %parallel_loop3A_539, %parallel_loop3A_543 : vector<16xi32>
      %parallel_loop3A_545 = arith.select %parallel_loop3A_541, %parallel_loop3A_544, %parallel_loop3A_539 : vector<16xi1>, vector<16xi32>
      %parallel_loop3A_546 = arith.constant 1 : i32
      %parallel_loop3A_547 = arith.constant 510 : i32
      %parallel_loop3A_548 = vector.broadcast %parallel_loop3A_546 : i32 to vector<16xi32>
      %parallel_loop3A_549 = arith.maxsi %parallel_loop3A_548, %parallel_loop3A_545 : vector<16xi32>
      %parallel_loop3A_550 = vector.broadcast %parallel_loop3A_547 : i32 to vector<16xi32>
      %parallel_loop3A_551 = arith.minsi %parallel_loop3A_550, %parallel_loop3A_549 : vector<16xi32>
      %parallel_loop3A_552 = arith.fptosi %parallel_loop3A_538 : vector<16xf32> to vector<16xi32>
      %parallel_loop3A_553 = arith.sitofp %parallel_loop3A_552 : vector<16xi32> to vector<16xf32>
      %parallel_loop3A_554 = arith.cmpf ogt, %parallel_loop3A_553, %parallel_loop3A_538 : vector<16xf32>
      %parallel_loop3A_555 = arith.constant 1 : i32
      %parallel_loop3A_556 = vector.broadcast %parallel_loop3A_555 : i32 to vector<16xi32>
      %parallel_loop3A_557 = arith.subi %parallel_loop3A_552, %parallel_loop3A_556 : vector<16xi32>
      %parallel_loop3A_558 = arith.select %parallel_loop3A_554, %parallel_loop3A_557, %parallel_loop3A_552 : vector<16xi1>, vector<16xi32>
      %parallel_loop3A_559 = arith.constant 1 : i32
      %parallel_loop3A_560 = arith.constant 510 : i32
      %parallel_loop3A_561 = vector.broadcast %parallel_loop3A_559 : i32 to vector<16xi32>
      %parallel_loop3A_562 = arith.maxsi %parallel_loop3A_561, %parallel_loop3A_558 : vector<16xi32>
      %parallel_loop3A_563 = vector.broadcast %parallel_loop3A_560 : i32 to vector<16xi32>
      %parallel_loop3A_564 = arith.minsi %parallel_loop3A_563, %parallel_loop3A_562 : vector<16xi32>
      %parallel_loop3A_565 = arith.sitofp %parallel_loop3A_551 : vector<16xi32> to vector<16xf32>
      %parallel_loop3A_566 = arith.subf %parallel_loop3A_537, %parallel_loop3A_565 : vector<16xf32>
      %parallel_loop3A_567 = arith.sitofp %parallel_loop3A_564 : vector<16xi32> to vector<16xf32>
      %parallel_loop3A_568 = arith.subf %parallel_loop3A_538, %parallel_loop3A_567 : vector<16xf32>
      %parallel_loop3A_569 = vector.broadcast %multiple_of3A : i32 to vector<16xi32>
      %parallel_loop3A_570 = arith.subi %parallel_loop3A_551, %parallel_loop3A_569 : vector<16xi32>
      %parallel_loop3A_571 = vector.broadcast %multiple_of3A_149 : i32 to vector<16xi32>
      %parallel_loop3A_572 = arith.subi %parallel_loop3A_564, %parallel_loop3A_571 : vector<16xi32>
      %parallel_loop3A_573 = arith.constant 1 : i32
      %parallel_loop3A_574 = vector.broadcast %parallel_loop3A_573 : i32 to vector<16xi32>
      %parallel_loop3A_575 = arith.addi %parallel_loop3A_570, %parallel_loop3A_574 : vector<16xi32>
      %parallel_loop3A_576 = arith.constant 1 : i32
      %parallel_loop3A_577 = vector.broadcast %parallel_loop3A_576 : i32 to vector<16xi32>
      %parallel_loop3A_578 = arith.addi %parallel_loop3A_572, %parallel_loop3A_577 : vector<16xi32>
      %parallel_loop3A_579 = tpu.vector_load_idx %arg6[%parallel_loop3A_570, %parallel_loop3A_572] : memref<160x384xf32, #tpu.memory_space<vmem>>[vector<16xi32>, vector<16xi32>], vector<16xf32>,
      %parallel_loop3A_580 = tpu.vector_load_idx %arg6[%parallel_loop3A_570, %parallel_loop3A_578] : memref<160x384xf32, #tpu.memory_space<vmem>>[vector<16xi32>, vector<16xi32>], vector<16xf32>,
      %parallel_loop3A_581 = tpu.vector_load_idx %arg6[%parallel_loop3A_575, %parallel_loop3A_572] : memref<160x384xf32, #tpu.memory_space<vmem>>[vector<16xi32>, vector<16xi32>], vector<16xf32>,
      %parallel_loop3A_582 = tpu.vector_load_idx %arg6[%parallel_loop3A_575, %parallel_loop3A_578] : memref<160x384xf32, #tpu.memory_space<vmem>>[vector<16xi32>, vector<16xi32>], vector<16xf32>,
      %parallel_loop3A_583 = arith.subf %broadcast_in_dim3A_152, %parallel_loop3A_568 : vector<16xf32>
      %parallel_loop3A_584 = arith.mulf %parallel_loop3A_583, %parallel_loop3A_579 : vector<16xf32>
      %parallel_loop3A_585 = arith.mulf %parallel_loop3A_568, %parallel_loop3A_580 : vector<16xf32>
      %parallel_loop3A_586 = arith.addf %parallel_loop3A_584, %parallel_loop3A_585 : vector<16xf32>
      %parallel_loop3A_587 = arith.subf %broadcast_in_dim3A_152, %parallel_loop3A_568 : vector<16xf32>
      %parallel_loop3A_588 = arith.mulf %parallel_loop3A_587, %parallel_loop3A_581 : vector<16xf32>
      %parallel_loop3A_589 = arith.mulf %parallel_loop3A_568, %parallel_loop3A_582 : vector<16xf32>
      %parallel_loop3A_590 = arith.addf %parallel_loop3A_588, %parallel_loop3A_589 : vector<16xf32>
      %parallel_loop3A_591 = arith.subf %broadcast_in_dim3A_152, %parallel_loop3A_566 : vector<16xf32>
      %parallel_loop3A_592 = arith.mulf %parallel_loop3A_591, %parallel_loop3A_586 : vector<16xf32>
      %parallel_loop3A_593 = arith.mulf %parallel_loop3A_566, %parallel_loop3A_590 : vector<16xf32>
      %parallel_loop3A_594 = arith.addf %parallel_loop3A_592, %parallel_loop3A_593 : vector<16xf32>
      %parallel_loop3A_595 = arith.index_cast %parallel_loop3A_509 : i32 to index
      %parallel_loop3A_596 = arith.constant 0 : index
      %parallel_loop3A_597 = tpu.vector_load %arg7[%parallel_loop3A_595, %parallel_loop3A_596] {strides = array<i32>} : memref<64x128xf32, #tpu.memory_space<vmem>>, vector<16xf32>,
      %parallel_loop3A_598 = arith.mulf %parallel_loop3A_594, %parallel_loop3A_597 : vector<16xf32>
      %parallel_loop3A_599 = arith.addf %parallel_loop3A_510, %parallel_loop3A_598 : vector<16xf32>
      %parallel_loop3A_600 = arith.addf %parallel_loop3A_532, %mul3A_194 : vector<16xf32>
      %parallel_loop3A_601 = arith.addf %parallel_loop3A_536, %mul3A_370 : vector<16xf32>
      %parallel_loop3A_602 = arith.fptosi %parallel_loop3A_600 : vector<16xf32> to vector<16xi32>
      %parallel_loop3A_603 = arith.sitofp %parallel_loop3A_602 : vector<16xi32> to vector<16xf32>
      %parallel_loop3A_604 = arith.cmpf ogt, %parallel_loop3A_603, %parallel_loop3A_600 : vector<16xf32>
      %parallel_loop3A_605 = arith.constant 1 : i32
      %parallel_loop3A_606 = vector.broadcast %parallel_loop3A_605 : i32 to vector<16xi32>
      %parallel_loop3A_607 = arith.subi %parallel_loop3A_602, %parallel_loop3A_606 : vector<16xi32>
      %parallel_loop3A_608 = arith.select %parallel_loop3A_604, %parallel_loop3A_607, %parallel_loop3A_602 : vector<16xi1>, vector<16xi32>
      %parallel_loop3A_609 = arith.constant 1 : i32
      %parallel_loop3A_610 = arith.constant 510 : i32
      %parallel_loop3A_611 = vector.broadcast %parallel_loop3A_609 : i32 to vector<16xi32>
      %parallel_loop3A_612 = arith.maxsi %parallel_loop3A_611, %parallel_loop3A_608 : vector<16xi32>
      %parallel_loop3A_613 = vector.broadcast %parallel_loop3A_610 : i32 to vector<16xi32>
      %parallel_loop3A_614 = arith.minsi %parallel_loop3A_613, %parallel_loop3A_612 : vector<16xi32>
      %parallel_loop3A_615 = arith.fptosi %parallel_loop3A_601 : vector<16xf32> to vector<16xi32>
      %parallel_loop3A_616 = arith.sitofp %parallel_loop3A_615 : vector<16xi32> to vector<16xf32>
      %parallel_loop3A_617 = arith.cmpf ogt, %parallel_loop3A_616, %parallel_loop3A_601 : vector<16xf32>
      %parallel_loop3A_618 = arith.constant 1 : i32
      %parallel_loop3A_619 = vector.broadcast %parallel_loop3A_618 : i32 to vector<16xi32>
      %parallel_loop3A_620 = arith.subi %parallel_loop3A_615, %parallel_loop3A_619 : vector<16xi32>
      %parallel_loop3A_621 = arith.select %parallel_loop3A_617, %parallel_loop3A_620, %parallel_loop3A_615 : vector<16xi1>, vector<16xi32>
      %parallel_loop3A_622 = arith.constant 1 : i32
      %parallel_loop3A_623 = arith.constant 510 : i32
      %parallel_loop3A_624 = vector.broadcast %parallel_loop3A_622 : i32 to vector<16xi32>
      %parallel_loop3A_625 = arith.maxsi %parallel_loop3A_624, %parallel_loop3A_621 : vector<16xi32>
      %parallel_loop3A_626 = vector.broadcast %parallel_loop3A_623 : i32 to vector<16xi32>
      %parallel_loop3A_627 = arith.minsi %parallel_loop3A_626, %parallel_loop3A_625 : vector<16xi32>
      %parallel_loop3A_628 = arith.sitofp %parallel_loop3A_614 : vector<16xi32> to vector<16xf32>
      %parallel_loop3A_629 = arith.subf %parallel_loop3A_600, %parallel_loop3A_628 : vector<16xf32>
      %parallel_loop3A_630 = arith.sitofp %parallel_loop3A_627 : vector<16xi32> to vector<16xf32>
      %parallel_loop3A_631 = arith.subf %parallel_loop3A_601, %parallel_loop3A_630 : vector<16xf32>
      %parallel_loop3A_632 = vector.broadcast %multiple_of3A : i32 to vector<16xi32>
      %parallel_loop3A_633 = arith.subi %parallel_loop3A_614, %parallel_loop3A_632 : vector<16xi32>
      %parallel_loop3A_634 = vector.broadcast %multiple_of3A_149 : i32 to vector<16xi32>
      %parallel_loop3A_635 = arith.subi %parallel_loop3A_627, %parallel_loop3A_634 : vector<16xi32>
      %parallel_loop3A_636 = arith.constant 1 : i32
      %parallel_loop3A_637 = vector.broadcast %parallel_loop3A_636 : i32 to vector<16xi32>
      %parallel_loop3A_638 = arith.addi %parallel_loop3A_633, %parallel_loop3A_637 : vector<16xi32>
      %parallel_loop3A_639 = arith.constant 1 : i32
      %parallel_loop3A_640 = vector.broadcast %parallel_loop3A_639 : i32 to vector<16xi32>
      %parallel_loop3A_641 = arith.addi %parallel_loop3A_635, %parallel_loop3A_640 : vector<16xi32>
      %parallel_loop3A_642 = tpu.vector_load_idx %arg6[%parallel_loop3A_633, %parallel_loop3A_635] : memref<160x384xf32, #tpu.memory_space<vmem>>[vector<16xi32>, vector<16xi32>], vector<16xf32>,
      %parallel_loop3A_643 = tpu.vector_load_idx %arg6[%parallel_loop3A_633, %parallel_loop3A_641] : memref<160x384xf32, #tpu.memory_space<vmem>>[vector<16xi32>, vector<16xi32>], vector<16xf32>,
      %parallel_loop3A_644 = tpu.vector_load_idx %arg6[%parallel_loop3A_638, %parallel_loop3A_635] : memref<160x384xf32, #tpu.memory_space<vmem>>[vector<16xi32>, vector<16xi32>], vector<16xf32>,
      %parallel_loop3A_645 = tpu.vector_load_idx %arg6[%parallel_loop3A_638, %parallel_loop3A_641] : memref<160x384xf32, #tpu.memory_space<vmem>>[vector<16xi32>, vector<16xi32>], vector<16xf32>,
      %parallel_loop3A_646 = arith.subf %broadcast_in_dim3A_152, %parallel_loop3A_631 : vector<16xf32>
      %parallel_loop3A_647 = arith.mulf %parallel_loop3A_646, %parallel_loop3A_642 : vector<16xf32>
      %parallel_loop3A_648 = arith.mulf %parallel_loop3A_631, %parallel_loop3A_643 : vector<16xf32>
      %parallel_loop3A_649 = arith.addf %parallel_loop3A_647, %parallel_loop3A_648 : vector<16xf32>
      %parallel_loop3A_650 = arith.subf %broadcast_in_dim3A_152, %parallel_loop3A_631 : vector<16xf32>
      %parallel_loop3A_651 = arith.mulf %parallel_loop3A_650, %parallel_loop3A_644 : vector<16xf32>
      %parallel_loop3A_652 = arith.mulf %parallel_loop3A_631, %parallel_loop3A_645 : vector<16xf32>
      %parallel_loop3A_653 = arith.addf %parallel_loop3A_651, %parallel_loop3A_652 : vector<16xf32>
      %parallel_loop3A_654 = arith.subf %broadcast_in_dim3A_152, %parallel_loop3A_629 : vector<16xf32>
      %parallel_loop3A_655 = arith.mulf %parallel_loop3A_654, %parallel_loop3A_649 : vector<16xf32>
      %parallel_loop3A_656 = arith.mulf %parallel_loop3A_629, %parallel_loop3A_653 : vector<16xf32>
      %parallel_loop3A_657 = arith.addf %parallel_loop3A_655, %parallel_loop3A_656 : vector<16xf32>
      %parallel_loop3A_658 = arith.index_cast %parallel_loop3A_509 : i32 to index
      %parallel_loop3A_659 = arith.constant 16 : index
      %parallel_loop3A_660 = tpu.vector_load %arg7[%parallel_loop3A_658, %parallel_loop3A_659] {strides = array<i32>} : memref<64x128xf32, #tpu.memory_space<vmem>>, vector<16xf32>,
      %parallel_loop3A_661 = arith.mulf %parallel_loop3A_657, %parallel_loop3A_660 : vector<16xf32>
      %parallel_loop3A_662 = arith.addf %parallel_loop3A_599, %parallel_loop3A_661 : vector<16xf32>
      %parallel_loop3A_663 = arith.addf %parallel_loop3A_532, %mul3A_216 : vector<16xf32>
      %parallel_loop3A_664 = arith.addf %parallel_loop3A_536, %mul3A_392 : vector<16xf32>
      %parallel_loop3A_665 = arith.fptosi %parallel_loop3A_663 : vector<16xf32> to vector<16xi32>
      %parallel_loop3A_666 = arith.sitofp %parallel_loop3A_665 : vector<16xi32> to vector<16xf32>
      %parallel_loop3A_667 = arith.cmpf ogt, %parallel_loop3A_666, %parallel_loop3A_663 : vector<16xf32>
      %parallel_loop3A_668 = arith.constant 1 : i32
      %parallel_loop3A_669 = vector.broadcast %parallel_loop3A_668 : i32 to vector<16xi32>
      %parallel_loop3A_670 = arith.subi %parallel_loop3A_665, %parallel_loop3A_669 : vector<16xi32>
      %parallel_loop3A_671 = arith.select %parallel_loop3A_667, %parallel_loop3A_670, %parallel_loop3A_665 : vector<16xi1>, vector<16xi32>
      %parallel_loop3A_672 = arith.constant 1 : i32
      %parallel_loop3A_673 = arith.constant 510 : i32
      %parallel_loop3A_674 = vector.broadcast %parallel_loop3A_672 : i32 to vector<16xi32>
      %parallel_loop3A_675 = arith.maxsi %parallel_loop3A_674, %parallel_loop3A_671 : vector<16xi32>
      %parallel_loop3A_676 = vector.broadcast %parallel_loop3A_673 : i32 to vector<16xi32>
      %parallel_loop3A_677 = arith.minsi %parallel_loop3A_676, %parallel_loop3A_675 : vector<16xi32>
      %parallel_loop3A_678 = arith.fptosi %parallel_loop3A_664 : vector<16xf32> to vector<16xi32>
      %parallel_loop3A_679 = arith.sitofp %parallel_loop3A_678 : vector<16xi32> to vector<16xf32>
      %parallel_loop3A_680 = arith.cmpf ogt, %parallel_loop3A_679, %parallel_loop3A_664 : vector<16xf32>
      %parallel_loop3A_681 = arith.constant 1 : i32
      %parallel_loop3A_682 = vector.broadcast %parallel_loop3A_681 : i32 to vector<16xi32>
      %parallel_loop3A_683 = arith.subi %parallel_loop3A_678, %parallel_loop3A_682 : vector<16xi32>
      %parallel_loop3A_684 = arith.select %parallel_loop3A_680, %parallel_loop3A_683, %parallel_loop3A_678 : vector<16xi1>, vector<16xi32>
      %parallel_loop3A_685 = arith.constant 1 : i32
      %parallel_loop3A_686 = arith.constant 510 : i32
      %parallel_loop3A_687 = vector.broadcast %parallel_loop3A_685 : i32 to vector<16xi32>
      %parallel_loop3A_688 = arith.maxsi %parallel_loop3A_687, %parallel_loop3A_684 : vector<16xi32>
      %parallel_loop3A_689 = vector.broadcast %parallel_loop3A_686 : i32 to vector<16xi32>
      %parallel_loop3A_690 = arith.minsi %parallel_loop3A_689, %parallel_loop3A_688 : vector<16xi32>
      %parallel_loop3A_691 = arith.sitofp %parallel_loop3A_677 : vector<16xi32> to vector<16xf32>
      %parallel_loop3A_692 = arith.subf %parallel_loop3A_663, %parallel_loop3A_691 : vector<16xf32>
      %parallel_loop3A_693 = arith.sitofp %parallel_loop3A_690 : vector<16xi32> to vector<16xf32>
      %parallel_loop3A_694 = arith.subf %parallel_loop3A_664, %parallel_loop3A_693 : vector<16xf32>
      %parallel_loop3A_695 = vector.broadcast %multiple_of3A : i32 to vector<16xi32>
      %parallel_loop3A_696 = arith.subi %parallel_loop3A_677, %parallel_loop3A_695 : vector<16xi32>
      %parallel_loop3A_697 = vector.broadcast %multiple_of3A_149 : i32 to vector<16xi32>
      %parallel_loop3A_698 = arith.subi %parallel_loop3A_690, %parallel_loop3A_697 : vector<16xi32>
      %parallel_loop3A_699 = arith.constant 1 : i32
      %parallel_loop3A_700 = vector.broadcast %parallel_loop3A_699 : i32 to vector<16xi32>
      %parallel_loop3A_701 = arith.addi %parallel_loop3A_696, %parallel_loop3A_700 : vector<16xi32>
      %parallel_loop3A_702 = arith.constant 1 : i32
      %parallel_loop3A_703 = vector.broadcast %parallel_loop3A_702 : i32 to vector<16xi32>
      %parallel_loop3A_704 = arith.addi %parallel_loop3A_698, %parallel_loop3A_703 : vector<16xi32>
      %parallel_loop3A_705 = tpu.vector_load_idx %arg6[%parallel_loop3A_696, %parallel_loop3A_698] : memref<160x384xf32, #tpu.memory_space<vmem>>[vector<16xi32>, vector<16xi32>], vector<16xf32>,
      %parallel_loop3A_706 = tpu.vector_load_idx %arg6[%parallel_loop3A_696, %parallel_loop3A_704] : memref<160x384xf32, #tpu.memory_space<vmem>>[vector<16xi32>, vector<16xi32>], vector<16xf32>,
      %parallel_loop3A_707 = tpu.vector_load_idx %arg6[%parallel_loop3A_701, %parallel_loop3A_698] : memref<160x384xf32, #tpu.memory_space<vmem>>[vector<16xi32>, vector<16xi32>], vector<16xf32>,
      %parallel_loop3A_708 = tpu.vector_load_idx %arg6[%parallel_loop3A_701, %parallel_loop3A_704] : memref<160x384xf32, #tpu.memory_space<vmem>>[vector<16xi32>, vector<16xi32>], vector<16xf32>,
      %parallel_loop3A_709 = arith.subf %broadcast_in_dim3A_152, %parallel_loop3A_694 : vector<16xf32>
      %parallel_loop3A_710 = arith.mulf %parallel_loop3A_709, %parallel_loop3A_705 : vector<16xf32>
      %parallel_loop3A_711 = arith.mulf %parallel_loop3A_694, %parallel_loop3A_706 : vector<16xf32>
      %parallel_loop3A_712 = arith.addf %parallel_loop3A_710, %parallel_loop3A_711 : vector<16xf32>
      %parallel_loop3A_713 = arith.subf %broadcast_in_dim3A_152, %parallel_loop3A_694 : vector<16xf32>
      %parallel_loop3A_714 = arith.mulf %parallel_loop3A_713, %parallel_loop3A_707 : vector<16xf32>
      %parallel_loop3A_715 = arith.mulf %parallel_loop3A_694, %parallel_loop3A_708 : vector<16xf32>
      %parallel_loop3A_716 = arith.addf %parallel_loop3A_714, %parallel_loop3A_715 : vector<16xf32>
      %parallel_loop3A_717 = arith.subf %broadcast_in_dim3A_152, %parallel_loop3A_692 : vector<16xf32>
      %parallel_loop3A_718 = arith.mulf %parallel_loop3A_717, %parallel_loop3A_712 : vector<16xf32>
      %parallel_loop3A_719 = arith.mulf %parallel_loop3A_692, %parallel_loop3A_716 : vector<16xf32>
      %parallel_loop3A_720 = arith.addf %parallel_loop3A_718, %parallel_loop3A_719 : vector<16xf32>
      %parallel_loop3A_721 = arith.index_cast %parallel_loop3A_509 : i32 to index
      %parallel_loop3A_722 = arith.constant 32 : index
      %parallel_loop3A_723 = tpu.vector_load %arg7[%parallel_loop3A_721, %parallel_loop3A_722] {strides = array<i32>} : memref<64x128xf32, #tpu.memory_space<vmem>>, vector<16xf32>,
      %parallel_loop3A_724 = arith.mulf %parallel_loop3A_720, %parallel_loop3A_723 : vector<16xf32>
      %parallel_loop3A_725 = arith.addf %parallel_loop3A_662, %parallel_loop3A_724 : vector<16xf32>
      %parallel_loop3A_726 = arith.addf %parallel_loop3A_532, %mul3A_238 : vector<16xf32>
      %parallel_loop3A_727 = arith.addf %parallel_loop3A_536, %mul3A_414 : vector<16xf32>
      %parallel_loop3A_728 = arith.fptosi %parallel_loop3A_726 : vector<16xf32> to vector<16xi32>
      %parallel_loop3A_729 = arith.sitofp %parallel_loop3A_728 : vector<16xi32> to vector<16xf32>
      %parallel_loop3A_730 = arith.cmpf ogt, %parallel_loop3A_729, %parallel_loop3A_726 : vector<16xf32>
      %parallel_loop3A_731 = arith.constant 1 : i32
      %parallel_loop3A_732 = vector.broadcast %parallel_loop3A_731 : i32 to vector<16xi32>
      %parallel_loop3A_733 = arith.subi %parallel_loop3A_728, %parallel_loop3A_732 : vector<16xi32>
      %parallel_loop3A_734 = arith.select %parallel_loop3A_730, %parallel_loop3A_733, %parallel_loop3A_728 : vector<16xi1>, vector<16xi32>
      %parallel_loop3A_735 = arith.constant 1 : i32
      %parallel_loop3A_736 = arith.constant 510 : i32
      %parallel_loop3A_737 = vector.broadcast %parallel_loop3A_735 : i32 to vector<16xi32>
      %parallel_loop3A_738 = arith.maxsi %parallel_loop3A_737, %parallel_loop3A_734 : vector<16xi32>
      %parallel_loop3A_739 = vector.broadcast %parallel_loop3A_736 : i32 to vector<16xi32>
      %parallel_loop3A_740 = arith.minsi %parallel_loop3A_739, %parallel_loop3A_738 : vector<16xi32>
      %parallel_loop3A_741 = arith.fptosi %parallel_loop3A_727 : vector<16xf32> to vector<16xi32>
      %parallel_loop3A_742 = arith.sitofp %parallel_loop3A_741 : vector<16xi32> to vector<16xf32>
      %parallel_loop3A_743 = arith.cmpf ogt, %parallel_loop3A_742, %parallel_loop3A_727 : vector<16xf32>
      %parallel_loop3A_744 = arith.constant 1 : i32
      %parallel_loop3A_745 = vector.broadcast %parallel_loop3A_744 : i32 to vector<16xi32>
      %parallel_loop3A_746 = arith.subi %parallel_loop3A_741, %parallel_loop3A_745 : vector<16xi32>
      %parallel_loop3A_747 = arith.select %parallel_loop3A_743, %parallel_loop3A_746, %parallel_loop3A_741 : vector<16xi1>, vector<16xi32>
      %parallel_loop3A_748 = arith.constant 1 : i32
      %parallel_loop3A_749 = arith.constant 510 : i32
      %parallel_loop3A_750 = vector.broadcast %parallel_loop3A_748 : i32 to vector<16xi32>
      %parallel_loop3A_751 = arith.maxsi %parallel_loop3A_750, %parallel_loop3A_747 : vector<16xi32>
      %parallel_loop3A_752 = vector.broadcast %parallel_loop3A_749 : i32 to vector<16xi32>
      %parallel_loop3A_753 = arith.minsi %parallel_loop3A_752, %parallel_loop3A_751 : vector<16xi32>
      %parallel_loop3A_754 = arith.sitofp %parallel_loop3A_740 : vector<16xi32> to vector<16xf32>
      %parallel_loop3A_755 = arith.subf %parallel_loop3A_726, %parallel_loop3A_754 : vector<16xf32>
      %parallel_loop3A_756 = arith.sitofp %parallel_loop3A_753 : vector<16xi32> to vector<16xf32>
      %parallel_loop3A_757 = arith.subf %parallel_loop3A_727, %parallel_loop3A_756 : vector<16xf32>
      %parallel_loop3A_758 = vector.broadcast %multiple_of3A : i32 to vector<16xi32>
      %parallel_loop3A_759 = arith.subi %parallel_loop3A_740, %parallel_loop3A_758 : vector<16xi32>
      %parallel_loop3A_760 = vector.broadcast %multiple_of3A_149 : i32 to vector<16xi32>
      %parallel_loop3A_761 = arith.subi %parallel_loop3A_753, %parallel_loop3A_760 : vector<16xi32>
      %parallel_loop3A_762 = arith.constant 1 : i32
      %parallel_loop3A_763 = vector.broadcast %parallel_loop3A_762 : i32 to vector<16xi32>
      %parallel_loop3A_764 = arith.addi %parallel_loop3A_759, %parallel_loop3A_763 : vector<16xi32>
      %parallel_loop3A_765 = arith.constant 1 : i32
      %parallel_loop3A_766 = vector.broadcast %parallel_loop3A_765 : i32 to vector<16xi32>
      %parallel_loop3A_767 = arith.addi %parallel_loop3A_761, %parallel_loop3A_766 : vector<16xi32>
      %parallel_loop3A_768 = tpu.vector_load_idx %arg6[%parallel_loop3A_759, %parallel_loop3A_761] : memref<160x384xf32, #tpu.memory_space<vmem>>[vector<16xi32>, vector<16xi32>], vector<16xf32>,
      %parallel_loop3A_769 = tpu.vector_load_idx %arg6[%parallel_loop3A_759, %parallel_loop3A_767] : memref<160x384xf32, #tpu.memory_space<vmem>>[vector<16xi32>, vector<16xi32>], vector<16xf32>,
      %parallel_loop3A_770 = tpu.vector_load_idx %arg6[%parallel_loop3A_764, %parallel_loop3A_761] : memref<160x384xf32, #tpu.memory_space<vmem>>[vector<16xi32>, vector<16xi32>], vector<16xf32>,
      %parallel_loop3A_771 = tpu.vector_load_idx %arg6[%parallel_loop3A_764, %parallel_loop3A_767] : memref<160x384xf32, #tpu.memory_space<vmem>>[vector<16xi32>, vector<16xi32>], vector<16xf32>,
      %parallel_loop3A_772 = arith.subf %broadcast_in_dim3A_152, %parallel_loop3A_757 : vector<16xf32>
      %parallel_loop3A_773 = arith.mulf %parallel_loop3A_772, %parallel_loop3A_768 : vector<16xf32>
      %parallel_loop3A_774 = arith.mulf %parallel_loop3A_757, %parallel_loop3A_769 : vector<16xf32>
      %parallel_loop3A_775 = arith.addf %parallel_loop3A_773, %parallel_loop3A_774 : vector<16xf32>
      %parallel_loop3A_776 = arith.subf %broadcast_in_dim3A_152, %parallel_loop3A_757 : vector<16xf32>
      %parallel_loop3A_777 = arith.mulf %parallel_loop3A_776, %parallel_loop3A_770 : vector<16xf32>
      %parallel_loop3A_778 = arith.mulf %parallel_loop3A_757, %parallel_loop3A_771 : vector<16xf32>
      %parallel_loop3A_779 = arith.addf %parallel_loop3A_777, %parallel_loop3A_778 : vector<16xf32>
      %parallel_loop3A_780 = arith.subf %broadcast_in_dim3A_152, %parallel_loop3A_755 : vector<16xf32>
      %parallel_loop3A_781 = arith.mulf %parallel_loop3A_780, %parallel_loop3A_775 : vector<16xf32>
      %parallel_loop3A_782 = arith.mulf %parallel_loop3A_755, %parallel_loop3A_779 : vector<16xf32>
      %parallel_loop3A_783 = arith.addf %parallel_loop3A_781, %parallel_loop3A_782 : vector<16xf32>
      %parallel_loop3A_784 = arith.index_cast %parallel_loop3A_509 : i32 to index
      %parallel_loop3A_785 = arith.constant 48 : index
      %parallel_loop3A_786 = tpu.vector_load %arg7[%parallel_loop3A_784, %parallel_loop3A_785] {strides = array<i32>} : memref<64x128xf32, #tpu.memory_space<vmem>>, vector<16xf32>,
      %parallel_loop3A_787 = arith.mulf %parallel_loop3A_783, %parallel_loop3A_786 : vector<16xf32>
      %parallel_loop3A_788 = arith.addf %parallel_loop3A_725, %parallel_loop3A_787 : vector<16xf32>
      %parallel_loop3A_789 = arith.addf %parallel_loop3A_532, %mul3A_260 : vector<16xf32>
      %parallel_loop3A_790 = arith.addf %parallel_loop3A_536, %mul3A_436 : vector<16xf32>
      %parallel_loop3A_791 = arith.fptosi %parallel_loop3A_789 : vector<16xf32> to vector<16xi32>
      %parallel_loop3A_792 = arith.sitofp %parallel_loop3A_791 : vector<16xi32> to vector<16xf32>
      %parallel_loop3A_793 = arith.cmpf ogt, %parallel_loop3A_792, %parallel_loop3A_789 : vector<16xf32>
      %parallel_loop3A_794 = arith.constant 1 : i32
      %parallel_loop3A_795 = vector.broadcast %parallel_loop3A_794 : i32 to vector<16xi32>
      %parallel_loop3A_796 = arith.subi %parallel_loop3A_791, %parallel_loop3A_795 : vector<16xi32>
      %parallel_loop3A_797 = arith.select %parallel_loop3A_793, %parallel_loop3A_796, %parallel_loop3A_791 : vector<16xi1>, vector<16xi32>
      %parallel_loop3A_798 = arith.constant 1 : i32
      %parallel_loop3A_799 = arith.constant 510 : i32
      %parallel_loop3A_800 = vector.broadcast %parallel_loop3A_798 : i32 to vector<16xi32>
      %parallel_loop3A_801 = arith.maxsi %parallel_loop3A_800, %parallel_loop3A_797 : vector<16xi32>
      %parallel_loop3A_802 = vector.broadcast %parallel_loop3A_799 : i32 to vector<16xi32>
      %parallel_loop3A_803 = arith.minsi %parallel_loop3A_802, %parallel_loop3A_801 : vector<16xi32>
      %parallel_loop3A_804 = arith.fptosi %parallel_loop3A_790 : vector<16xf32> to vector<16xi32>
      %parallel_loop3A_805 = arith.sitofp %parallel_loop3A_804 : vector<16xi32> to vector<16xf32>
      %parallel_loop3A_806 = arith.cmpf ogt, %parallel_loop3A_805, %parallel_loop3A_790 : vector<16xf32>
      %parallel_loop3A_807 = arith.constant 1 : i32
      %parallel_loop3A_808 = vector.broadcast %parallel_loop3A_807 : i32 to vector<16xi32>
      %parallel_loop3A_809 = arith.subi %parallel_loop3A_804, %parallel_loop3A_808 : vector<16xi32>
      %parallel_loop3A_810 = arith.select %parallel_loop3A_806, %parallel_loop3A_809, %parallel_loop3A_804 : vector<16xi1>, vector<16xi32>
      %parallel_loop3A_811 = arith.constant 1 : i32
      %parallel_loop3A_812 = arith.constant 510 : i32
      %parallel_loop3A_813 = vector.broadcast %parallel_loop3A_811 : i32 to vector<16xi32>
      %parallel_loop3A_814 = arith.maxsi %parallel_loop3A_813, %parallel_loop3A_810 : vector<16xi32>
      %parallel_loop3A_815 = vector.broadcast %parallel_loop3A_812 : i32 to vector<16xi32>
      %parallel_loop3A_816 = arith.minsi %parallel_loop3A_815, %parallel_loop3A_814 : vector<16xi32>
      %parallel_loop3A_817 = arith.sitofp %parallel_loop3A_803 : vector<16xi32> to vector<16xf32>
      %parallel_loop3A_818 = arith.subf %parallel_loop3A_789, %parallel_loop3A_817 : vector<16xf32>
      %parallel_loop3A_819 = arith.sitofp %parallel_loop3A_816 : vector<16xi32> to vector<16xf32>
      %parallel_loop3A_820 = arith.subf %parallel_loop3A_790, %parallel_loop3A_819 : vector<16xf32>
      %parallel_loop3A_821 = vector.broadcast %multiple_of3A : i32 to vector<16xi32>
      %parallel_loop3A_822 = arith.subi %parallel_loop3A_803, %parallel_loop3A_821 : vector<16xi32>
      %parallel_loop3A_823 = vector.broadcast %multiple_of3A_149 : i32 to vector<16xi32>
      %parallel_loop3A_824 = arith.subi %parallel_loop3A_816, %parallel_loop3A_823 : vector<16xi32>
      %parallel_loop3A_825 = arith.constant 1 : i32
      %parallel_loop3A_826 = vector.broadcast %parallel_loop3A_825 : i32 to vector<16xi32>
      %parallel_loop3A_827 = arith.addi %parallel_loop3A_822, %parallel_loop3A_826 : vector<16xi32>
      %parallel_loop3A_828 = arith.constant 1 : i32
      %parallel_loop3A_829 = vector.broadcast %parallel_loop3A_828 : i32 to vector<16xi32>
      %parallel_loop3A_830 = arith.addi %parallel_loop3A_824, %parallel_loop3A_829 : vector<16xi32>
      %parallel_loop3A_831 = tpu.vector_load_idx %arg6[%parallel_loop3A_822, %parallel_loop3A_824] : memref<160x384xf32, #tpu.memory_space<vmem>>[vector<16xi32>, vector<16xi32>], vector<16xf32>,
      %parallel_loop3A_832 = tpu.vector_load_idx %arg6[%parallel_loop3A_822, %parallel_loop3A_830] : memref<160x384xf32, #tpu.memory_space<vmem>>[vector<16xi32>, vector<16xi32>], vector<16xf32>,
      %parallel_loop3A_833 = tpu.vector_load_idx %arg6[%parallel_loop3A_827, %parallel_loop3A_824] : memref<160x384xf32, #tpu.memory_space<vmem>>[vector<16xi32>, vector<16xi32>], vector<16xf32>,
      %parallel_loop3A_834 = tpu.vector_load_idx %arg6[%parallel_loop3A_827, %parallel_loop3A_830] : memref<160x384xf32, #tpu.memory_space<vmem>>[vector<16xi32>, vector<16xi32>], vector<16xf32>,
      %parallel_loop3A_835 = arith.subf %broadcast_in_dim3A_152, %parallel_loop3A_820 : vector<16xf32>
      %parallel_loop3A_836 = arith.mulf %parallel_loop3A_835, %parallel_loop3A_831 : vector<16xf32>
      %parallel_loop3A_837 = arith.mulf %parallel_loop3A_820, %parallel_loop3A_832 : vector<16xf32>
      %parallel_loop3A_838 = arith.addf %parallel_loop3A_836, %parallel_loop3A_837 : vector<16xf32>
      %parallel_loop3A_839 = arith.subf %broadcast_in_dim3A_152, %parallel_loop3A_820 : vector<16xf32>
      %parallel_loop3A_840 = arith.mulf %parallel_loop3A_839, %parallel_loop3A_833 : vector<16xf32>
      %parallel_loop3A_841 = arith.mulf %parallel_loop3A_820, %parallel_loop3A_834 : vector<16xf32>
      %parallel_loop3A_842 = arith.addf %parallel_loop3A_840, %parallel_loop3A_841 : vector<16xf32>
      %parallel_loop3A_843 = arith.subf %broadcast_in_dim3A_152, %parallel_loop3A_818 : vector<16xf32>
      %parallel_loop3A_844 = arith.mulf %parallel_loop3A_843, %parallel_loop3A_838 : vector<16xf32>
      %parallel_loop3A_845 = arith.mulf %parallel_loop3A_818, %parallel_loop3A_842 : vector<16xf32>
      %parallel_loop3A_846 = arith.addf %parallel_loop3A_844, %parallel_loop3A_845 : vector<16xf32>
      %parallel_loop3A_847 = arith.index_cast %parallel_loop3A_509 : i32 to index
      %parallel_loop3A_848 = arith.constant 64 : index
      %parallel_loop3A_849 = tpu.vector_load %arg7[%parallel_loop3A_847, %parallel_loop3A_848] {strides = array<i32>} : memref<64x128xf32, #tpu.memory_space<vmem>>, vector<16xf32>,
      %parallel_loop3A_850 = arith.mulf %parallel_loop3A_846, %parallel_loop3A_849 : vector<16xf32>
      %parallel_loop3A_851 = arith.addf %parallel_loop3A_788, %parallel_loop3A_850 : vector<16xf32>
      %parallel_loop3A_852 = arith.addf %parallel_loop3A_532, %mul3A_282 : vector<16xf32>
      %parallel_loop3A_853 = arith.addf %parallel_loop3A_536, %mul3A_458 : vector<16xf32>
      %parallel_loop3A_854 = arith.fptosi %parallel_loop3A_852 : vector<16xf32> to vector<16xi32>
      %parallel_loop3A_855 = arith.sitofp %parallel_loop3A_854 : vector<16xi32> to vector<16xf32>
      %parallel_loop3A_856 = arith.cmpf ogt, %parallel_loop3A_855, %parallel_loop3A_852 : vector<16xf32>
      %parallel_loop3A_857 = arith.constant 1 : i32
      %parallel_loop3A_858 = vector.broadcast %parallel_loop3A_857 : i32 to vector<16xi32>
      %parallel_loop3A_859 = arith.subi %parallel_loop3A_854, %parallel_loop3A_858 : vector<16xi32>
      %parallel_loop3A_860 = arith.select %parallel_loop3A_856, %parallel_loop3A_859, %parallel_loop3A_854 : vector<16xi1>, vector<16xi32>
      %parallel_loop3A_861 = arith.constant 1 : i32
      %parallel_loop3A_862 = arith.constant 510 : i32
      %parallel_loop3A_863 = vector.broadcast %parallel_loop3A_861 : i32 to vector<16xi32>
      %parallel_loop3A_864 = arith.maxsi %parallel_loop3A_863, %parallel_loop3A_860 : vector<16xi32>
      %parallel_loop3A_865 = vector.broadcast %parallel_loop3A_862 : i32 to vector<16xi32>
      %parallel_loop3A_866 = arith.minsi %parallel_loop3A_865, %parallel_loop3A_864 : vector<16xi32>
      %parallel_loop3A_867 = arith.fptosi %parallel_loop3A_853 : vector<16xf32> to vector<16xi32>
      %parallel_loop3A_868 = arith.sitofp %parallel_loop3A_867 : vector<16xi32> to vector<16xf32>
      %parallel_loop3A_869 = arith.cmpf ogt, %parallel_loop3A_868, %parallel_loop3A_853 : vector<16xf32>
      %parallel_loop3A_870 = arith.constant 1 : i32
      %parallel_loop3A_871 = vector.broadcast %parallel_loop3A_870 : i32 to vector<16xi32>
      %parallel_loop3A_872 = arith.subi %parallel_loop3A_867, %parallel_loop3A_871 : vector<16xi32>
      %parallel_loop3A_873 = arith.select %parallel_loop3A_869, %parallel_loop3A_872, %parallel_loop3A_867 : vector<16xi1>, vector<16xi32>
      %parallel_loop3A_874 = arith.constant 1 : i32
      %parallel_loop3A_875 = arith.constant 510 : i32
      %parallel_loop3A_876 = vector.broadcast %parallel_loop3A_874 : i32 to vector<16xi32>
      %parallel_loop3A_877 = arith.maxsi %parallel_loop3A_876, %parallel_loop3A_873 : vector<16xi32>
      %parallel_loop3A_878 = vector.broadcast %parallel_loop3A_875 : i32 to vector<16xi32>
      %parallel_loop3A_879 = arith.minsi %parallel_loop3A_878, %parallel_loop3A_877 : vector<16xi32>
      %parallel_loop3A_880 = arith.sitofp %parallel_loop3A_866 : vector<16xi32> to vector<16xf32>
      %parallel_loop3A_881 = arith.subf %parallel_loop3A_852, %parallel_loop3A_880 : vector<16xf32>
      %parallel_loop3A_882 = arith.sitofp %parallel_loop3A_879 : vector<16xi32> to vector<16xf32>
      %parallel_loop3A_883 = arith.subf %parallel_loop3A_853, %parallel_loop3A_882 : vector<16xf32>
      %parallel_loop3A_884 = vector.broadcast %multiple_of3A : i32 to vector<16xi32>
      %parallel_loop3A_885 = arith.subi %parallel_loop3A_866, %parallel_loop3A_884 : vector<16xi32>
      %parallel_loop3A_886 = vector.broadcast %multiple_of3A_149 : i32 to vector<16xi32>
      %parallel_loop3A_887 = arith.subi %parallel_loop3A_879, %parallel_loop3A_886 : vector<16xi32>
      %parallel_loop3A_888 = arith.constant 1 : i32
      %parallel_loop3A_889 = vector.broadcast %parallel_loop3A_888 : i32 to vector<16xi32>
      %parallel_loop3A_890 = arith.addi %parallel_loop3A_885, %parallel_loop3A_889 : vector<16xi32>
      %parallel_loop3A_891 = arith.constant 1 : i32
      %parallel_loop3A_892 = vector.broadcast %parallel_loop3A_891 : i32 to vector<16xi32>
      %parallel_loop3A_893 = arith.addi %parallel_loop3A_887, %parallel_loop3A_892 : vector<16xi32>
      %parallel_loop3A_894 = tpu.vector_load_idx %arg6[%parallel_loop3A_885, %parallel_loop3A_887] : memref<160x384xf32, #tpu.memory_space<vmem>>[vector<16xi32>, vector<16xi32>], vector<16xf32>,
      %parallel_loop3A_895 = tpu.vector_load_idx %arg6[%parallel_loop3A_885, %parallel_loop3A_893] : memref<160x384xf32, #tpu.memory_space<vmem>>[vector<16xi32>, vector<16xi32>], vector<16xf32>,
      %parallel_loop3A_896 = tpu.vector_load_idx %arg6[%parallel_loop3A_890, %parallel_loop3A_887] : memref<160x384xf32, #tpu.memory_space<vmem>>[vector<16xi32>, vector<16xi32>], vector<16xf32>,
      %parallel_loop3A_897 = tpu.vector_load_idx %arg6[%parallel_loop3A_890, %parallel_loop3A_893] : memref<160x384xf32, #tpu.memory_space<vmem>>[vector<16xi32>, vector<16xi32>], vector<16xf32>,
      %parallel_loop3A_898 = arith.subf %broadcast_in_dim3A_152, %parallel_loop3A_883 : vector<16xf32>
      %parallel_loop3A_899 = arith.mulf %parallel_loop3A_898, %parallel_loop3A_894 : vector<16xf32>
      %parallel_loop3A_900 = arith.mulf %parallel_loop3A_883, %parallel_loop3A_895 : vector<16xf32>
      %parallel_loop3A_901 = arith.addf %parallel_loop3A_899, %parallel_loop3A_900 : vector<16xf32>
      %parallel_loop3A_902 = arith.subf %broadcast_in_dim3A_152, %parallel_loop3A_883 : vector<16xf32>
      %parallel_loop3A_903 = arith.mulf %parallel_loop3A_902, %parallel_loop3A_896 : vector<16xf32>
      %parallel_loop3A_904 = arith.mulf %parallel_loop3A_883, %parallel_loop3A_897 : vector<16xf32>
      %parallel_loop3A_905 = arith.addf %parallel_loop3A_903, %parallel_loop3A_904 : vector<16xf32>
      %parallel_loop3A_906 = arith.subf %broadcast_in_dim3A_152, %parallel_loop3A_881 : vector<16xf32>
      %parallel_loop3A_907 = arith.mulf %parallel_loop3A_906, %parallel_loop3A_901 : vector<16xf32>
      %parallel_loop3A_908 = arith.mulf %parallel_loop3A_881, %parallel_loop3A_905 : vector<16xf32>
      %parallel_loop3A_909 = arith.addf %parallel_loop3A_907, %parallel_loop3A_908 : vector<16xf32>
      %parallel_loop3A_910 = arith.index_cast %parallel_loop3A_509 : i32 to index
      %parallel_loop3A_911 = arith.constant 80 : index
      %parallel_loop3A_912 = tpu.vector_load %arg7[%parallel_loop3A_910, %parallel_loop3A_911] {strides = array<i32>} : memref<64x128xf32, #tpu.memory_space<vmem>>, vector<16xf32>,
      %parallel_loop3A_913 = arith.mulf %parallel_loop3A_909, %parallel_loop3A_912 : vector<16xf32>
      %parallel_loop3A_914 = arith.addf %parallel_loop3A_851, %parallel_loop3A_913 : vector<16xf32>
      %parallel_loop3A_915 = arith.addf %parallel_loop3A_532, %mul3A_304 : vector<16xf32>
      %parallel_loop3A_916 = arith.addf %parallel_loop3A_536, %mul3A_480 : vector<16xf32>
      %parallel_loop3A_917 = arith.fptosi %parallel_loop3A_915 : vector<16xf32> to vector<16xi32>
      %parallel_loop3A_918 = arith.sitofp %parallel_loop3A_917 : vector<16xi32> to vector<16xf32>
      %parallel_loop3A_919 = arith.cmpf ogt, %parallel_loop3A_918, %parallel_loop3A_915 : vector<16xf32>
      %parallel_loop3A_920 = arith.constant 1 : i32
      %parallel_loop3A_921 = vector.broadcast %parallel_loop3A_920 : i32 to vector<16xi32>
      %parallel_loop3A_922 = arith.subi %parallel_loop3A_917, %parallel_loop3A_921 : vector<16xi32>
      %parallel_loop3A_923 = arith.select %parallel_loop3A_919, %parallel_loop3A_922, %parallel_loop3A_917 : vector<16xi1>, vector<16xi32>
      %parallel_loop3A_924 = arith.constant 1 : i32
      %parallel_loop3A_925 = arith.constant 510 : i32
      %parallel_loop3A_926 = vector.broadcast %parallel_loop3A_924 : i32 to vector<16xi32>
      %parallel_loop3A_927 = arith.maxsi %parallel_loop3A_926, %parallel_loop3A_923 : vector<16xi32>
      %parallel_loop3A_928 = vector.broadcast %parallel_loop3A_925 : i32 to vector<16xi32>
      %parallel_loop3A_929 = arith.minsi %parallel_loop3A_928, %parallel_loop3A_927 : vector<16xi32>
      %parallel_loop3A_930 = arith.fptosi %parallel_loop3A_916 : vector<16xf32> to vector<16xi32>
      %parallel_loop3A_931 = arith.sitofp %parallel_loop3A_930 : vector<16xi32> to vector<16xf32>
      %parallel_loop3A_932 = arith.cmpf ogt, %parallel_loop3A_931, %parallel_loop3A_916 : vector<16xf32>
      %parallel_loop3A_933 = arith.constant 1 : i32
      %parallel_loop3A_934 = vector.broadcast %parallel_loop3A_933 : i32 to vector<16xi32>
      %parallel_loop3A_935 = arith.subi %parallel_loop3A_930, %parallel_loop3A_934 : vector<16xi32>
      %parallel_loop3A_936 = arith.select %parallel_loop3A_932, %parallel_loop3A_935, %parallel_loop3A_930 : vector<16xi1>, vector<16xi32>
      %parallel_loop3A_937 = arith.constant 1 : i32
      %parallel_loop3A_938 = arith.constant 510 : i32
      %parallel_loop3A_939 = vector.broadcast %parallel_loop3A_937 : i32 to vector<16xi32>
      %parallel_loop3A_940 = arith.maxsi %parallel_loop3A_939, %parallel_loop3A_936 : vector<16xi32>
      %parallel_loop3A_941 = vector.broadcast %parallel_loop3A_938 : i32 to vector<16xi32>
      %parallel_loop3A_942 = arith.minsi %parallel_loop3A_941, %parallel_loop3A_940 : vector<16xi32>
      %parallel_loop3A_943 = arith.sitofp %parallel_loop3A_929 : vector<16xi32> to vector<16xf32>
      %parallel_loop3A_944 = arith.subf %parallel_loop3A_915, %parallel_loop3A_943 : vector<16xf32>
      %parallel_loop3A_945 = arith.sitofp %parallel_loop3A_942 : vector<16xi32> to vector<16xf32>
      %parallel_loop3A_946 = arith.subf %parallel_loop3A_916, %parallel_loop3A_945 : vector<16xf32>
      %parallel_loop3A_947 = vector.broadcast %multiple_of3A : i32 to vector<16xi32>
      %parallel_loop3A_948 = arith.subi %parallel_loop3A_929, %parallel_loop3A_947 : vector<16xi32>
      %parallel_loop3A_949 = vector.broadcast %multiple_of3A_149 : i32 to vector<16xi32>
      %parallel_loop3A_950 = arith.subi %parallel_loop3A_942, %parallel_loop3A_949 : vector<16xi32>
      %parallel_loop3A_951 = arith.constant 1 : i32
      %parallel_loop3A_952 = vector.broadcast %parallel_loop3A_951 : i32 to vector<16xi32>
      %parallel_loop3A_953 = arith.addi %parallel_loop3A_948, %parallel_loop3A_952 : vector<16xi32>
      %parallel_loop3A_954 = arith.constant 1 : i32
      %parallel_loop3A_955 = vector.broadcast %parallel_loop3A_954 : i32 to vector<16xi32>
      %parallel_loop3A_956 = arith.addi %parallel_loop3A_950, %parallel_loop3A_955 : vector<16xi32>
      %parallel_loop3A_957 = tpu.vector_load_idx %arg6[%parallel_loop3A_948, %parallel_loop3A_950] : memref<160x384xf32, #tpu.memory_space<vmem>>[vector<16xi32>, vector<16xi32>], vector<16xf32>,
      %parallel_loop3A_958 = tpu.vector_load_idx %arg6[%parallel_loop3A_948, %parallel_loop3A_956] : memref<160x384xf32, #tpu.memory_space<vmem>>[vector<16xi32>, vector<16xi32>], vector<16xf32>,
      %parallel_loop3A_959 = tpu.vector_load_idx %arg6[%parallel_loop3A_953, %parallel_loop3A_950] : memref<160x384xf32, #tpu.memory_space<vmem>>[vector<16xi32>, vector<16xi32>], vector<16xf32>,
      %parallel_loop3A_960 = tpu.vector_load_idx %arg6[%parallel_loop3A_953, %parallel_loop3A_956] : memref<160x384xf32, #tpu.memory_space<vmem>>[vector<16xi32>, vector<16xi32>], vector<16xf32>,
      %parallel_loop3A_961 = arith.subf %broadcast_in_dim3A_152, %parallel_loop3A_946 : vector<16xf32>
      %parallel_loop3A_962 = arith.mulf %parallel_loop3A_961, %parallel_loop3A_957 : vector<16xf32>
      %parallel_loop3A_963 = arith.mulf %parallel_loop3A_946, %parallel_loop3A_958 : vector<16xf32>
      %parallel_loop3A_964 = arith.addf %parallel_loop3A_962, %parallel_loop3A_963 : vector<16xf32>
      %parallel_loop3A_965 = arith.subf %broadcast_in_dim3A_152, %parallel_loop3A_946 : vector<16xf32>
      %parallel_loop3A_966 = arith.mulf %parallel_loop3A_965, %parallel_loop3A_959 : vector<16xf32>
      %parallel_loop3A_967 = arith.mulf %parallel_loop3A_946, %parallel_loop3A_960 : vector<16xf32>
      %parallel_loop3A_968 = arith.addf %parallel_loop3A_966, %parallel_loop3A_967 : vector<16xf32>
      %parallel_loop3A_969 = arith.subf %broadcast_in_dim3A_152, %parallel_loop3A_944 : vector<16xf32>
      %parallel_loop3A_970 = arith.mulf %parallel_loop3A_969, %parallel_loop3A_964 : vector<16xf32>
      %parallel_loop3A_971 = arith.mulf %parallel_loop3A_944, %parallel_loop3A_968 : vector<16xf32>
      %parallel_loop3A_972 = arith.addf %parallel_loop3A_970, %parallel_loop3A_971 : vector<16xf32>
      %parallel_loop3A_973 = arith.index_cast %parallel_loop3A_509 : i32 to index
      %parallel_loop3A_974 = arith.constant 96 : index
      %parallel_loop3A_975 = tpu.vector_load %arg7[%parallel_loop3A_973, %parallel_loop3A_974] {strides = array<i32>} : memref<64x128xf32, #tpu.memory_space<vmem>>, vector<16xf32>,
      %parallel_loop3A_976 = arith.mulf %parallel_loop3A_972, %parallel_loop3A_975 : vector<16xf32>
      %parallel_loop3A_977 = arith.addf %parallel_loop3A_914, %parallel_loop3A_976 : vector<16xf32>
      %parallel_loop3A_978 = arith.addf %parallel_loop3A_532, %mul3A_326 : vector<16xf32>
      %parallel_loop3A_979 = arith.addf %parallel_loop3A_536, %mul3A_502 : vector<16xf32>
      %parallel_loop3A_980 = arith.fptosi %parallel_loop3A_978 : vector<16xf32> to vector<16xi32>
      %parallel_loop3A_981 = arith.sitofp %parallel_loop3A_980 : vector<16xi32> to vector<16xf32>
      %parallel_loop3A_982 = arith.cmpf ogt, %parallel_loop3A_981, %parallel_loop3A_978 : vector<16xf32>
      %parallel_loop3A_983 = arith.constant 1 : i32
      %parallel_loop3A_984 = vector.broadcast %parallel_loop3A_983 : i32 to vector<16xi32>
      %parallel_loop3A_985 = arith.subi %parallel_loop3A_980, %parallel_loop3A_984 : vector<16xi32>
      %parallel_loop3A_986 = arith.select %parallel_loop3A_982, %parallel_loop3A_985, %parallel_loop3A_980 : vector<16xi1>, vector<16xi32>
      %parallel_loop3A_987 = arith.constant 1 : i32
      %parallel_loop3A_988 = arith.constant 510 : i32
      %parallel_loop3A_989 = vector.broadcast %parallel_loop3A_987 : i32 to vector<16xi32>
      %parallel_loop3A_990 = arith.maxsi %parallel_loop3A_989, %parallel_loop3A_986 : vector<16xi32>
      %parallel_loop3A_991 = vector.broadcast %parallel_loop3A_988 : i32 to vector<16xi32>
      %parallel_loop3A_992 = arith.minsi %parallel_loop3A_991, %parallel_loop3A_990 : vector<16xi32>
      %parallel_loop3A_993 = arith.fptosi %parallel_loop3A_979 : vector<16xf32> to vector<16xi32>
      %parallel_loop3A_994 = arith.sitofp %parallel_loop3A_993 : vector<16xi32> to vector<16xf32>
      %parallel_loop3A_995 = arith.cmpf ogt, %parallel_loop3A_994, %parallel_loop3A_979 : vector<16xf32>
      %parallel_loop3A_996 = arith.constant 1 : i32
      %parallel_loop3A_997 = vector.broadcast %parallel_loop3A_996 : i32 to vector<16xi32>
      %parallel_loop3A_998 = arith.subi %parallel_loop3A_993, %parallel_loop3A_997 : vector<16xi32>
      %parallel_loop3A_999 = arith.select %parallel_loop3A_995, %parallel_loop3A_998, %parallel_loop3A_993 : vector<16xi1>, vector<16xi32>
      %parallel_loop3A_1000 = arith.constant 1 : i32
      %parallel_loop3A_1001 = arith.constant 510 : i32
      %parallel_loop3A_1002 = vector.broadcast %parallel_loop3A_1000 : i32 to vector<16xi32>
      %parallel_loop3A_1003 = arith.maxsi %parallel_loop3A_1002, %parallel_loop3A_999 : vector<16xi32>
      %parallel_loop3A_1004 = vector.broadcast %parallel_loop3A_1001 : i32 to vector<16xi32>
      %parallel_loop3A_1005 = arith.minsi %parallel_loop3A_1004, %parallel_loop3A_1003 : vector<16xi32>
      %parallel_loop3A_1006 = arith.sitofp %parallel_loop3A_992 : vector<16xi32> to vector<16xf32>
      %parallel_loop3A_1007 = arith.subf %parallel_loop3A_978, %parallel_loop3A_1006 : vector<16xf32>
      %parallel_loop3A_1008 = arith.sitofp %parallel_loop3A_1005 : vector<16xi32> to vector<16xf32>
      %parallel_loop3A_1009 = arith.subf %parallel_loop3A_979, %parallel_loop3A_1008 : vector<16xf32>
      %parallel_loop3A_1010 = vector.broadcast %multiple_of3A : i32 to vector<16xi32>
      %parallel_loop3A_1011 = arith.subi %parallel_loop3A_992, %parallel_loop3A_1010 : vector<16xi32>
      %parallel_loop3A_1012 = vector.broadcast %multiple_of3A_149 : i32 to vector<16xi32>
      %parallel_loop3A_1013 = arith.subi %parallel_loop3A_1005, %parallel_loop3A_1012 : vector<16xi32>
      %parallel_loop3A_1014 = arith.constant 1 : i32
      %parallel_loop3A_1015 = vector.broadcast %parallel_loop3A_1014 : i32 to vector<16xi32>
      %parallel_loop3A_1016 = arith.addi %parallel_loop3A_1011, %parallel_loop3A_1015 : vector<16xi32>
      %parallel_loop3A_1017 = arith.constant 1 : i32
      %parallel_loop3A_1018 = vector.broadcast %parallel_loop3A_1017 : i32 to vector<16xi32>
      %parallel_loop3A_1019 = arith.addi %parallel_loop3A_1013, %parallel_loop3A_1018 : vector<16xi32>
      %parallel_loop3A_1020 = tpu.vector_load_idx %arg6[%parallel_loop3A_1011, %parallel_loop3A_1013] : memref<160x384xf32, #tpu.memory_space<vmem>>[vector<16xi32>, vector<16xi32>], vector<16xf32>,
      %parallel_loop3A_1021 = tpu.vector_load_idx %arg6[%parallel_loop3A_1011, %parallel_loop3A_1019] : memref<160x384xf32, #tpu.memory_space<vmem>>[vector<16xi32>, vector<16xi32>], vector<16xf32>,
      %parallel_loop3A_1022 = tpu.vector_load_idx %arg6[%parallel_loop3A_1016, %parallel_loop3A_1013] : memref<160x384xf32, #tpu.memory_space<vmem>>[vector<16xi32>, vector<16xi32>], vector<16xf32>,
      %parallel_loop3A_1023 = tpu.vector_load_idx %arg6[%parallel_loop3A_1016, %parallel_loop3A_1019] : memref<160x384xf32, #tpu.memory_space<vmem>>[vector<16xi32>, vector<16xi32>], vector<16xf32>,
      %parallel_loop3A_1024 = arith.subf %broadcast_in_dim3A_152, %parallel_loop3A_1009 : vector<16xf32>
      %parallel_loop3A_1025 = arith.mulf %parallel_loop3A_1024, %parallel_loop3A_1020 : vector<16xf32>
      %parallel_loop3A_1026 = arith.mulf %parallel_loop3A_1009, %parallel_loop3A_1021 : vector<16xf32>
      %parallel_loop3A_1027 = arith.addf %parallel_loop3A_1025, %parallel_loop3A_1026 : vector<16xf32>
      %parallel_loop3A_1028 = arith.subf %broadcast_in_dim3A_152, %parallel_loop3A_1009 : vector<16xf32>
      %parallel_loop3A_1029 = arith.mulf %parallel_loop3A_1028, %parallel_loop3A_1022 : vector<16xf32>
      %parallel_loop3A_1030 = arith.mulf %parallel_loop3A_1009, %parallel_loop3A_1023 : vector<16xf32>
      %parallel_loop3A_1031 = arith.addf %parallel_loop3A_1029, %parallel_loop3A_1030 : vector<16xf32>
      %parallel_loop3A_1032 = arith.subf %broadcast_in_dim3A_152, %parallel_loop3A_1007 : vector<16xf32>
      %parallel_loop3A_1033 = arith.mulf %parallel_loop3A_1032, %parallel_loop3A_1027 : vector<16xf32>
      %parallel_loop3A_1034 = arith.mulf %parallel_loop3A_1007, %parallel_loop3A_1031 : vector<16xf32>
      %parallel_loop3A_1035 = arith.addf %parallel_loop3A_1033, %parallel_loop3A_1034 : vector<16xf32>
      %parallel_loop3A_1036 = arith.index_cast %parallel_loop3A_509 : i32 to index
      %parallel_loop3A_1037 = arith.constant 112 : index
      %parallel_loop3A_1038 = tpu.vector_load %arg7[%parallel_loop3A_1036, %parallel_loop3A_1037] {strides = array<i32>} : memref<64x128xf32, #tpu.memory_space<vmem>>, vector<16xf32>,
      %parallel_loop3A_1039 = arith.mulf %parallel_loop3A_1035, %parallel_loop3A_1038 : vector<16xf32>
      %parallel_loop3A_1040 = arith.addf %parallel_loop3A_977, %parallel_loop3A_1039 : vector<16xf32>
      scf.yield %parallel_loop3A_1040 : vector<16xf32>
    } {sc.loop_unroll_factor = 1 : i64, sc.parallel_access}
    %swap3A = arith.constant 0 : index
    %swap3A_508 = tpu.vector_load %arg9[%swap3A] {strides = array<i32>} : memref<16xf32, #tpu.memory_space<vmem>>, vector<16xf32>,
    tpu.vector_store %arg9[%swap3A], %parallel_loop3A_507 {strides = array<i32>} : memref<16xf32, #tpu.memory_space<vmem>>, vector<16xf32>,
    "tpu.region"() ({
      %run_scoped3A = tpu.sem_alloc : memref<!tpu.dma_semaphore, #tpu.memory_space<semaphore_mem>>
      %dma_start3A_509 = arith.constant 0 : i32
      %dma_start3A_510 = tpu.memref_slice %arg5[%add3A, %dma_start3A_509] : memref<32x16xf32, #tpu.memory_space<hbm>> -> memref<1x16xf32, #tpu.memory_space<hbm>>
      %dma_start3A_511 = tpu.memref_squeeze %dma_start3A_510 : memref<1x16xf32, #tpu.memory_space<hbm>> -> memref<16xf32, #tpu.memory_space<hbm>>
      %dma_start3A_512 = arith.constant 0 : i32
      %dma_start3A_513 = tpu.memref_slice %arg5[%add3A, %dma_start3A_512] : memref<32x16xf32, #tpu.memory_space<hbm>> -> memref<1x16xf32, #tpu.memory_space<hbm>>
      %dma_start3A_514 = tpu.memref_squeeze %dma_start3A_513 : memref<1x16xf32, #tpu.memory_space<hbm>> -> memref<16xf32, #tpu.memory_space<hbm>>
      tpu.enqueue_dma source(%arg9 : memref<16xf32, #tpu.memory_space<vmem>>) target(%dma_start3A_514 : memref<16xf32, #tpu.memory_space<hbm>>) target_semaphore(%run_scoped3A : memref<!tpu.dma_semaphore, #tpu.memory_space<semaphore_mem>>)
      %dma_wait3A_515 = arith.constant 0 : i32
      %dma_wait3A_516 = tpu.memref_slice %arg5[%add3A, %dma_wait3A_515] : memref<32x16xf32, #tpu.memory_space<hbm>> -> memref<1x16xf32, #tpu.memory_space<hbm>>
      %dma_wait3A_517 = tpu.memref_squeeze %dma_wait3A_516 : memref<1x16xf32, #tpu.memory_space<hbm>> -> memref<16xf32, #tpu.memory_space<hbm>>
      %dma_wait3A_518 = arith.constant 0 : i32
      %dma_wait3A_519 = tpu.memref_slice %arg5[%add3A, %dma_wait3A_518] : memref<32x16xf32, #tpu.memory_space<hbm>> -> memref<1x16xf32, #tpu.memory_space<hbm>>
      %dma_wait3A_520 = tpu.memref_squeeze %dma_wait3A_519 : memref<1x16xf32, #tpu.memory_space<hbm>> -> memref<16xf32, #tpu.memory_space<hbm>>
      tpu.wait_dma2 semaphore(%run_scoped3A : memref<!tpu.dma_semaphore, #tpu.memory_space<semaphore_mem>>) src(%arg9 : memref<16xf32, #tpu.memory_space<vmem>>) dst(%dma_wait3A_520 : memref<16xf32, #tpu.memory_space<hbm>>)
      tpu.yield
    }) : () -> ()
    return
  }
}

module attributes {stable_mosaic.version = 14 : i64} {
  func.func @_finish_body(%arg0: memref<32x16xf32, #tpu.memory_space<vmem>>, %arg1: memref<1x1xf32, #tpu.memory_space<vmem>>) attributes {dimension_semantics = [], scalar_prefetch = 0 : i64, scratch_operands = 0 : i64, tpu.core_type = #tpu.core_type<tc>} {
    %get3A = arith.constant 0 : index
    %get3A_0 = arith.constant 0 : index
    %get3A_1 = vector.load %arg0[%get3A, %get3A_0] : memref<32x16xf32, #tpu.memory_space<vmem>>, vector<32x16xf32>
    %reduce_sum3A = vector.shape_cast %get3A_1 : vector<32x16xf32> to vector<1x32x16xf32>
    %reduce_sum3A_2 = arith.constant dense<0.000000e+00> : vector<1xf32>
    %reduce_sum3A_3 = vector.multi_reduction <add>, %reduce_sum3A, %reduce_sum3A_2 [1, 2] : vector<1x32x16xf32> to vector<1xf32>
    %reduce_sum3A_4 = vector.shape_cast %reduce_sum3A_3 : vector<1xf32> to vector<1x1x1xf32>
    %reduce_sum3A_5 = vector.extract %reduce_sum3A_4[0, 0, 0] : f32 from vector<1x1x1xf32>
    %mul3A = arith.mulf %reduce_sum3A_5, %reduce_sum3A_5 : f32
    %broadcast_in_dim3A = vector.broadcast %mul3A : f32 to vector<1x1xf32>
    %swap3A = arith.constant 0 : index
    %swap3A_6 = arith.constant 0 : index
    %swap3A_7 = vector.load %arg1[%swap3A, %swap3A_6] : memref<1x1xf32, #tpu.memory_space<vmem>>, vector<1x1xf32>
    tpu.vector_store %arg1[%swap3A, %swap3A_6], %broadcast_in_dim3A {strides = array<i32>} : memref<1x1xf32, #tpu.memory_space<vmem>>, vector<1x1xf32>,
    return
  }
}

</mosaic_0001>

<sc_bundles>
// kernel: kernel.4.cloned.1.call-start
scs
__scs_entry_jumppad:
0x0: {  	(pc) =	sbr.rel $0x88, $3  }
0x1: {  	(tag) =	ssettag $0x0;
	lr =	simm.s32 $0x1  }
0x2: {  	[smem:$0x3F9E] =	sst lr;
	_ =	strace $0xD0000000  }
0x3: {  	_ = 	snop  }
0x4: {  	_ = 	snop  }
0x5: {  	_ = 	snop  }
0x6: {  	_ = 	snop  }
0x7: {  	_ = 	snop  }
__scs_overlays_trampoline_lowered:
0x8: {  	[smem:$0x3FAD] =	sst s0  }
0x9: {  	[smem:$0x3FAE] =	sst s1  }
0xa: {  	[smem:$0x3FAF] =	sst s2  }
0xb: {  	[smem:$0x3FB0] =	sst s3  }
0xc: {  	[smem:$0x3FB1] =	sst s4  }
0xd: {  	[smem:$0x3FB2] =	sst s5  }
0xe: {  	[smem:$0x3FB3] =	sst s6  }
0xf: {  	[smem:$0x3FB4] =	sst s7  }
0x10: {  	[smem:$0x3FB5] =	sst s8  }
0x11: {  	[smem:$0x3FB6] =	sst s9;
	s0 =	simm.s32 @!p0 $0x0  }
0x12: {  	s1 =	sld [smem:$0x3F9C];
	s0 =	simm.s32 @p0 $0x1  }
0x13: {  	[smem:$0x3FB7] =	sst s0;
	s0 =	simm.s32 @!p1 $0x0  }
0x14: {  	s2 =	sld [smem:$0x3F9B];
	s0 =	simm.s32 @p1 $0x1  }
0x15: {  	[smem:$0x3FB8] =	sst s0;
	s0 =	simm.s32 @!p2 $0x0  }
0x16: {  	s3 =	sld [smem:$0x3FDB];
	s0 =	simm.s32 @p2 $0x1  }
0x17: {  	s4 =	simm.s32 $0x1BF5;
	[smem:$0x3FBA] =	sst s0  }
0x18: {  	s0 =	sld [smem:$0x3F9D];
	_ =	swait.ge [sflag:s4], $0x0  }
0x19: {  	s7 =	sld [smem:$0x3F9E]  }
0x1a: {  	s8 =	sadd.s32 $0xFFFFE003, lr  }
0x1b: {  	s9 =	sadd.s32 $0xFFFFFEF7, lr;
	s5 =	simm.s32 $0xFFFFFFFF;
	p2 =	slt.u32 s8, $0xFFFFF086  }
0x1c: {  	p1 =	slt.u32 s9, $0xF7A;
	s5 =	simm.s32 @!p2 $0x0  }
0x1d: {  	s5 =	simm.s32 @p1 $0x1;
	p0 =	seq.s32 s7, s2  }
0x1e: {  	s7 =	smul.u32 @!p0 $0xF7A, s2;
	p2 =	seq.s32 @!p0 s5, $0x0  }
0x1f: {  	s9 =	smul.u32 $0xF7A, s1;
	s8 =	simm.s32 @!p0 $0x1BF5;
	p2 =	por !p2, p0  }
0x20: {  	[sflag:s8] =	ssyncset.s32 @!p0 $0xFFFFF086;
	s6 =	sadd.s32 @!p0 s3, s7;
	s7 =	simm.s32 @!p0 $0x108  }
0x21: {  	s3 =	sadd.s32 s3, s9;
	s6 =	sadd.s32 @!p0 $0x88, s6;
	s7 =	simm.s32 @p2 $0x1082  }
0x22: {  	[simem:s7], [sflag:s8] =	dma.local @!p0 [hbm:s6], $0xF7A  }
0x23: {  	s9 =	sor.u32 $0xD0000000, s2;
	s6 =	simm.s32 $0x108;
	_ =	swait.ge @!p0 [sflag:s8], $0x0  }
0x24: {  	s3 =	sadd.s32 $0x88, s3;
	s6 =	simm.s32 @!p1 $0x1082;
	[sflag:s4] =	ssyncset.s32 $0xFFFFF086  }
0x25: {  	[simem:s6], [sflag:s4] =	dma.local [hbm:s3], $0xF7A  }
0x26: {  	[smem:$0x3F9E] =	sst s1;
	(tag) =	ssettag s2;
	_ =	strace s9  }
0x27: {  	s1 =	sld [smem:$0x3FAE]  }
0x28: {  	s2 =	sld [smem:$0x3FAF]  }
0x29: {  	s4 =	sld [smem:$0x3FB1]  }
0x2a: {  	p0 =	seq.s32 s5, $0x0;
	s5 =	sld [smem:$0x3FB2]  }
0x2b: {  	s6 =	sld [smem:$0x3FB3]  }
0x2c: {  	s7 =	sld [smem:$0x3FB4]  }
0x2d: {  	s3 =	simm.s32 $0x108;
	s8 =	sld [smem:$0x3FB5]  }
0x2e: {  	s3 =	simm.s32 @!p0 $0x1082;
	s9 =	sld [smem:$0x3FB6]  }
0x2f: {  	lr =	sadd.s32 s0, s3;
	s0 =	sld [smem:$0x3FAD]  }
0x30: {  	s3 =	sld [smem:$0x3FB0]  }
0x31: {  	[smem:$0x3FB9] =	sst s10  }
0x32: {  	s10 =	sld [smem:$0x3FB7];
	_ =	sdelay $0x3  }
0x33: {  	p0 =	seq.s32 s10, $0x1;
	s10 =	sld [smem:$0x3FB9];
	_ =	sdelay $0x3  }
0x34: {  	[smem:$0x3FB9] =	sst s10  }
0x35: {  	s10 =	sld [smem:$0x3FB8];
	_ =	sdelay $0x3  }
0x36: {  	p1 =	seq.s32 s10, $0x1;
	s10 =	sld [smem:$0x3FB9];
	_ =	sdelay $0x3  }
0x37: {  	[smem:$0x3FB9] =	sst s10  }
0x38: {  	s10 =	sld [smem:$0x3FBA]  }
0x39: {  	_ = 	snop;
	(pc) =	sbr.ind lr, $3  }
0x3a: {  	_ = 	snop  }
0x3b: {  	_ = 	snop  }
0x3c: {  	p2 =	seq.s32 s10, $0x1;
	s10 =	sld [smem:$0x3FB9]  }
0x3d: {  	_ =	shalt  }
0x3e: {  	_ =	shalt  }
0x3f: {  	_ =	shalt  }
0x40: {  	_ =	shalt  }
0x41: {  	_ =	shalt  }
0x42: {  	_ =	shalt  }
0x43: {  	_ =	shalt  }
0x44: {  	_ =	shalt  }
0x45: {  	_ =	shalt  }
0x46: {  	_ =	shalt  }
0x47: {  	_ =	shalt  }
0x48: {  	_ =	shalt  }
0x49: {  	_ =	shalt  }
0x4a: {  	_ =	shalt  }
0x4b: {  	_ =	shalt  }
0x4c: {  	_ =	shalt  }
0x4d: {  	_ =	shalt  }
0x4e: {  	_ =	shalt  }
0x4f: {  	_ =	shalt  }
0x50: {  	_ =	shalt  }
0x51: {  	_ =	shalt  }
0x52: {  	_ =	shalt  }
0x53: {  	_ =	shalt  }
0x54: {  	_ =	shalt  }
0x55: {  	_ =	shalt  }
0x56: {  	_ =	shalt  }
0x57: {  	_ =	shalt  }
0x58: {  	_ =	shalt  }
0x59: {  	_ =	shalt  }
0x5a: {  	_ =	shalt  }
0x5b: {  	_ =	shalt  }
0x5c: {  	_ =	shalt  }
0x5d: {  	_ =	shalt  }
0x5e: {  	_ =	shalt  }
0x5f: {  	_ =	shalt  }
0x60: {  	_ =	shalt  }
0x61: {  	_ =	shalt  }
0x62: {  	_ =	shalt  }
0x63: {  	_ =	shalt  }
0x64: {  	_ =	shalt  }
0x65: {  	_ =	shalt  }
0x66: {  	_ =	shalt  }
0x67: {  	_ =	shalt  }
0x68: {  	_ =	shalt  }
0x69: {  	_ =	shalt  }
0x6a: {  	_ =	shalt  }
0x6b: {  	_ =	shalt  }
0x6c: {  	_ =	shalt  }
0x6d: {  	_ =	shalt  }
0x6e: {  	_ =	shalt  }
0x6f: {  	_ =	shalt  }
0x70: {  	_ =	shalt  }
0x71: {  	_ =	shalt  }
0x72: {  	_ =	shalt  }
0x73: {  	_ =	shalt  }
0x74: {  	_ =	shalt  }
0x75: {  	_ =	shalt  }
0x76: {  	_ =	shalt  }
0x77: {  	_ =	shalt  }
0x78: {  	_ =	shalt  }
0x79: {  	_ =	shalt  }
0x7a: {  	_ =	shalt  }
0x7b: {  	_ =	shalt  }
0x7c: {  	_ =	shalt  }
0x7d: {  	_ =	shalt  }
0x7e: {  	_ =	shalt  }
0x7f: {  	_ =	shalt  }
0x80: {  	_ =	shalt  }
0x81: {  	_ =	shalt  }
0x82: {  	_ =	shalt  }
0x83: {  	_ =	shalt  }
0x84: {  	_ =	shalt  }
0x85: {  	_ =	shalt  }
0x86: {  	_ =	shalt  }
0x87: {  	_ =	shalt  }
.Lfunc_end0:
.L_simem_size_0:
called_computation_lowered:
.L_overlay_start_0:
0x88: {  	s2 =	sld [smem:$0x3FD9]  }
0x89: {  	s3 =	sld [smem:$0x3FFE];
	_ =	sdelay $0x1  }
0x8a: {  	s1 =	srdreg.scid  }
0x8b: {  	s0 =	sand.u32 $0x1, s1  }
0x8c: {  	s17 =	sshll.u32 s0, $0xA;
	s2 =	sadd.s32 s3, s2  }
0x8d: {  	s2 =	sadd.s32 s2, s17  }
0x8e: {  	[smem:$0x3FC5] =	sst s2  }
0x8f: {  	_ = 	snop  }
0x90: {  	s2 =	sld [smem:$0x3FC8]  }
0x91: {  	s18 =	sld [smem:$0x3FC7];
	(tm) =	ssettm $0x1  }
0x92: {  	s4 =	sld [smem:$0x3FFB];
	_ =	sdelay $0x3  }
0x93: {  	_ =	strace s4  }
0x94: {  	s4 =	sld [smem:$0x3FFC];
	_ =	sdelay $0x3  }
0x95: {  	_ =	strace s4  }
0x96: {  	s4 =	sld [smem:$0x3FFD];
	_ =	sdelay $0x3  }
0x97: {  	_ =	strace s4  }
0x98: {  	_ =	strace $0x8FFFFFFF  }
0x99: {  	s19 =	sld [smem:$0x3FDB];
	_ =	sdelay $0x1  }
0x9a: {  	s5 =	simm.s32 $_scs_section_size  }
0x9b: {  	s6 =	simm.s32 $_size__tile_overlayer_lowered;
	s7 =	simm.s32 $_tile_overlayer_lowered  }
0x9c: {  	s22 =	simm.s32 $0x1BFF;
	s21 =	sshll.u32 s7, $0x1;
	s4 =	sadd.s32 s5, s19  }
0x9d: {  	s8 =	simm.s32 $0x0;
	s20 =	sshll.u32 s6, $0x1;
	s6 =	sadd.s32 s21, s4  }
0x9e: {  	[timem:s8], [sflag:s22] =	dma.local [hbm:s6], s20  }
0x9f: {  	_ =	swait.ge [sflag:s22], s20  }
0xa0: {  	s5 =	ssub.s32 $0x0, s20;
	[sflag:s22] =	ssyncset.done $0x0  }
0xa1: {  	[sflag:s22] =	ssyncadd.s32 s5;
	_ =	sdelay $0x1  }
0xa2: {  	s23 =	simm.s32 $0x1B8B  }
0xa3: {  	_ =	swait.ge [sflag:s23], $0x1  }
0xa4: {  	[sflag:s23] =	ssyncset.done $0x0  }
0xa5: {  	s25 =	simm.s32 $0x1B8E;
	s24 =	sld [smem:$0x3FFE];
	[sflag:s23] =	ssyncadd.s32 $0xFFFFFFFF  }
0xa6: {  	s26 =	simm.s32 $execute0_lowered;
	[smem:$0x3FD2] =	sst s25  }
0xa7: {  	s6 =	sshll.u32 s26, $0x1;
	_ =	strace $0x80000046;
	[dreg:$0x1] =	wrdreg $0xFFFFFFFF  }
0xa8: {  	s28 =	simm.s32 $_size_execute0_lowered;
	s4 =	sadd.s32 s4, s6;
	[dreg:$0x0] =	wrdreg $0x0  }
0xa9: {  	s6 =	sshll.u32 s28, $0x1;
	[dreg:$0x2] =	wrdreg s4  }
0xaa: {  	[dreg:$0x3] =	wrdreg s6  }
0xab: {  	[dreg:$0x4] =	wrdreg $0xC0  }
0xac: {  	_ =	task [dreg:s8], $0x5FFFF  }
0xad: {  	[dreg:$0x1] =	wrdreg $0xFFFFFFFF  }
0xae: {  	[dreg:$0x0] =	wrdreg $0x60  }
0xaf: {  	[dreg:$0x2] =	wrdreg s2  }
0xb0: {  	[dreg:$0x3] =	wrdreg s18  }
0xb1: {  	[dreg:$0x4] =	wrdreg s24  }
0xb2: {  	[dreg:$0x5] =	wrdreg $0x9  }
0xb3: {  	_ =	task.clear_ibuf [dreg:s8], $0x6FFFF;
	_ =	strace $0x90000046  }
0xb4: {  	s29 =	simm.s32 $0x9;
	_ =	strace $0x80000048  }
0xb5: {  	_ =	swait.ge [sflag:s29], $0x1  }
0xb6: {  	[sflag:s29] =	ssyncadd.s32 $0xFFFFFFFF  }
0xb7: {  	_ =	strace $0x90000048  }
0xb8: {  	_ =	sfence  }
0xb9: {  	s30 =	sld [smem:$0x0];
	_ =	sdelay $0x2  }
0xba: {  	s31 =	sshll.u32 s1, $0xD;
	s1 =	sshrl.u32 s1, $0x2  }
0xbb: {  	s3 =	sand.u32 $0x4000, s31;
	s1 =	sadd.s32 s1, s30  }
0xbc: {  	s0 =	sor.u32 s3, s0;
	s1 =	sshll.u32 s1, $0x11  }
0xbd: {  	s0 =	sor.u32 s1, s0  }
0xbe: {  	s0 =	sadd.s32 $0x8F2B, s0  }
0xbf: {  	[sflag:s0] =	ssyncadd.remote.s32 $0x1  }
0xc0: {  	_ =	sfence.sel $0xFFFF  }
0xc1: {  	[dreg:$0x0] =	wrdreg $0xFFFFFFFF;
	(pc) =	sbr.abs _section_cstart, $3  }
0xc2: {  	[dreg:$0x1] =	wrdreg $0xFFFFFFFF  }
0xc3: {  	_ =	task.clear_ibuf [dreg:s8], $0x2FFFF;
	_ =	strace $0x9FFFFFFF  }
0xc4: {  	(tm) =	ssettm $0x7FFFFFFF  }
0xc5: {  	_ =	shalt  }
tec
execute0_lowered:
.L_overlay_start_1:
0x0: {  	(tag) =	ssettag $0x1  }
0x1: {  	s1 =	srdreg.scid  }
0x2: {  	s0 =	stileid.u32;
	s5 =	sand.u32 $0x1, s1  }
0x3: {  	s22 =	sshll.u32 s0, $0x8;
	s2 =	sshll.u32 s5, $0x7  }
0x4: {  	s6 =	sor.u32 s2, s22  }
0x5: {  	v0 =	vlaneseq.u32;
	s10 =	sand.u32 $0x180, s6  }
0x6: {  	v1 =	vor.u32 s10, v0  }
0x7: {  	s23 =	sor.u32 $0x10, s10;
	s24 =	sor.u32 $0x20, s10;
	s25 =	sor.u32 $0x30, s10;
	v1 =	vcvt.s32.f32 v1  }
0x8: {  	s26 =	sor.u32 $0x40, s10;
	s4 =	sor.u32 $0x50, s10;
	s8 =	sor.u32 $0x60, s10;
	v2 =	vor.u32 s23, v0;
	v4 =	vor.u32 s24, v0;
	v52 =	vor.u32 s25, v0  }
0x9: {  	s12 =	sor.u32 $0x70, s10;
	v5 =	vor.u32 s26, v0;
	v6 =	vor.u32 s4, v0;
	v56 =	vor.u32 s8, v0  }
0xa: {  	v0 =	vor.u32 s12, v0;
	v2 =	vcvt.s32.f32 v2;
	v4 =	vcvt.s32.f32 v4  }
0xb: {  	v5 =	vcvt.s32.f32 v5;
	v6 =	vcvt.s32.f32 v6;
	v3 =	vshrl.u32 v1, $0x10  }
0xc: {  	v0 =	vcvt.s32.f32 v0;
	v3 =	vand.u32 $0x1, v3;
	v50 =	vshrl.u32 v2, $0x10  }
0xd: {  	v53 =	vshrl.u32 v4, $0x10;
	v7 =	vshrl.u32 v5, $0x10;
	v57 =	vshrl.u32 v6, $0x10  }
0xe: {  	v61 =	vshrl.u32 v0, $0x10;
	v1 =	vadd.s32 v3, v1;
	v3 =	vand.u32 $0x1, v50  }
0xf: {  	v55 =	vand.u32 $0x1, v7;
	v7 =	vcvt.s32.f32 v56;
	v1 =	vadd.s32 $0x7FFF, v1  }
0x10: {  	s11 =	rddreg [dreg:$0x1];
	v51 =	vadd.s32 v3, v2;
	v2 =	vcvt.s32.f32 v52;
	v3 =	vand.u32 $0x1, v53  }
0x11: {  	s7 =	rddreg [dreg:$0x2];
	s3 =	simm.s32 $0x0;
	s16 =	simm.s32 $0xC00;
	v1 =	vand.u32 $0xFFFF0000, v1;
	v3 =	vadd.s32 v3, v4;
	v58 =	vshrl.u32 v7, $0x10  }
0x12: {  	s17 =	simm.s32 $0x1000;
	s18 =	simm.s32 $0x400;
	s19 =	simm.s32 $0xF000;
	[tilespmem:$0x1FF80] =	vst v1;
	v1 =	vadd.s32 $0x7FFF, v51;
	v54 =	vshrl.u32 v2, $0x10;
	v3 =	vadd.s32 $0x7FFF, v3  }
0x13: {  	s20 =	simm.s32 $0x11400;
	s21 =	simm.s32 $0x0;
	s1 =	rddreg [dreg:$0x0];
	v60 =	vand.u32 $0x1, v58;
	v4 =	vand.u32 $0x1, v54;
	v1 =	vand.u32 $0xFFFF0000, v1  }
0x14: {  	[smem:$0x7FF] =	sst s3;
	s9 =	sshrl.u32 s0, $0x1;
	s28 =	ssub.s32 $0x2, s5;
	v59 =	vand.u32 $0xFFFF0000, v3;
	v3 =	vand.u32 $0x1, v61;
	v2 =	vadd.s32 v4, v2  }
0x15: {  	s5 =	sshll.u32 s9, $0x6;
	s15 =	sshll.u32 s9, $0xC;
	_ =	strace $0x80000047;
	v4 =	vadd.s32 v55, v5;
	[tilespmem:$0x1FF90] =	vst v1;
	v1 =	vadd.s32 v60, v7;
	v2 =	vadd.s32 $0x7FFF, v2  }
0x16: {  	s31 =	sshllo.u32 s9, $0x6;
	s29 =	sshrl.u32 s28, $0x1;
	s11 =	sadd.s32 s11, s15;
	[tilespmem:$0x1FFA0] =	vst v59;
	v0 =	vadd.s32 v3, v0;
	v1 =	vadd.s32 $0x7FFF, v1;
	v2 =	vand.u32 $0xFFFF0000, v2  }
0x17: {  	s15 =	simm.s32 $0x1;
	s6 =	sshrl.u32 s6, $0x3;
	s30 =	ssub.s32 s28, s29;
	v5 =	vand.u32 $0x1, v57;
	v0 =	vadd.s32 $0x7FFF, v0;
	v1 =	vand.u32 $0xFFFF0000, v1;
	[tilespmem:$0x1FFB0] =	vst v2  }
0x18: {  	s13 =	sadd.s32 s6, s7;
	s6 =	scvt.s32.f32 s5;
	s14 =	sor.u32 $0x7F, s10;
	v5 =	vadd.s32 v5, v6;
	v62 =	vadd.s32 $0x7FFF, v4;
	v0 =	vand.u32 $0xFFFF0000, v0;
	[tilespmem:$0x1FFE0] =	vst v1  }
0x19: {  	s4 =	sadd.s32 $0xA00, s7;
	s7 =	scvt.s32.f32 s31;
	s8 =	scvt.s32.f32 s10;
	v63 =	vadd.s32 $0x7FFF, v5;
	v2 =	vand.u32 $0xFFFF0000, v62;
	[tilespmem:$0x1FFF0] =	vst v0  }
0x1a: {  	s9 =	scvt.s32.f32 s14;
	s10 =	sadd.s32 s10, s11;
	s11 =	sadd.s32 $0xC00, s13;
	[tilespmem:$0x1FFC0] =	vst v2;
	v2 =	vand.u32 $0xFFFF0000, v63  }
0x1b: {  	v34 =	vimm.s32 $0x0;
	s12 =	smax.u32 s30, $0x1;
	s13 =	simm.s32 $0x11000;
	s14 =	simm.s32 $0x2;
	[tilespmem:$0x1FFD0] =	vst v2  }
.LBB2_1:
0x1c: {  	[tilespmem:s13], [sflag:$0x2] =	stream.linear.gather [hbm4b:s4+s3], $0x400, $0x38;
	[tilespmem:$0x11480] =	vst v63  }
0x1d: {  	_ =	swait.ge [sflag:s14], $0x400  }
0x1e: {  	[sflag:s14] =	ssyncset.done $0x0  }
0x1f: {  	[sflag:s14] =	ssyncadd.s32 $0xFFFFFC00  }
0x20: {  	v0 =	vld [tilespmem:$0x11000]  }
0x21: {  	v1 =	vld [tilespmem:$0x11080];
	_ =	sdelay $0x1  }
0x22: {  	v2 =	vld [tilespmem:$0x11100]  }
0x23: {  	v3 =	vld [tilespmem:$0x11180]  }
0x24: {  	v4 =	vld [tilespmem:$0x11200];
	(xrf0) =	vmax.scan.msk.f32 $0xffff, v0  }
0x25: {  	v9 =	vld [tilespmem:$0x1FF80];
	(xrf0) =	vmax.scan.msk.f32 $0xffff, v1  }
0x26: {  	v14 =	vld [tilespmem:$0x1FF90]  }
0x27: {  	s31 =	sadd.s32 $0x0, s5;
	v13 =	vld [tilespmem:$0x1FFA0];
	(xrf0) =	vmax.scan.msk.f32 $0xffff, v2  }
0x28: {  	s31 =	scvt.s32.f32 s31;
	v12 =	vld [tilespmem:$0x1FFB0];
	(xrf0) =	vmax.scan.msk.f32 $0xffff, v3  }
0x29: {  	(xrf0) =	vmax.scan.msk.f32 $0xffff, v4;
	v4 =	vld [tilespmem:$0x11280]  }
0x2a: {  	v15 =	vld [tilespmem:$0x1FFC0];
	v6 =	vmov s31;
	v0, _, _ =	vpop (xrf0)  }
0x2b: {  	v16 =	vld [tilespmem:$0x1FFD0];
	v6 =	vbroadcast v6, $0x0;
	v1, _, _ =	vpop (xrf0);
	(v2sf) =	vpush v0, $0xF  }
0x2c: {  	(v2sf) =	vpush v1, $0xF;
	v1 =	vbroadcast v1, $0xF  }
0x2d: {  	v7 =	vshrl.u32 v6, $0x10  }
0x2e: {  	v7 =	vand.u32 $0x1, v7;
	v2, _, _ =	vpop (xrf0);
	(xrf0) =	vmax.scan.msk.f32 $0xffff, v4;
	v27 =	vmul.f32 v9, v1;
	v20 =	vmul.f32 v14, v1  }
0x2f: {  	v44 =	vld [tilespmem:$0x1FFE0];
	v3, _, _ =	vpop (xrf0);
	(v2sf) =	vpush v2, $0xF;
	v17 =	vmul.f32 v13, v1;
	v18 =	vmul.f32 v12, v1  }
0x30: {  	(v2sf) =	vpush v3, $0xF;
	v5, _, _ =	vpop (xrf0);
	v19 =	vmul.f32 v15, v1;
	v21 =	vmul.f32 v16, v1  }
0x31: {  	(v2sf) =	vpush v5, $0xF;
	v8 =	vbroadcast v5, $0xF;
	v5 =	vadd.s32 v7, v6  }
0x32: {  	v3 =	vbroadcast v3, $0xF;
	v6 =	vbroadcast v0, $0xF;
	v42 =	vadd.s32 $0x7FFF, v5  }
0x33: {  	v5 =	vbroadcast v2, $0xF;
	v0 =	vand.u32 $0xFFFF0000, v42;
	v24 =	vmul.f32 v9, v8  }
0x34: {  	[tilespmem:$0x1FC40] =	vst v20;
	v45 =	vmul.f32 v44, v8;
	v43 =	vmul.f32 v0, v6;
	v4, _, _ =	vpop (xrf0)  }
0x35: {  	[tilespmem:$0x1FC20] =	vst v17;
	v0 =	vmul.f32 v0, v3;
	v7 =	vbroadcast v4, $0xF  }
0x36: {  	[tilespmem:$0x1FB30] =	vst v6;
	v46 =	vmul.f32 v16, v8;
	v6 =	vmul.f32 v44, v1;
	v11 =	vadd.f32 v43, v5  }
0x37: {  	[tilespmem:$0x1FBD0] =	vst v19;
	v22 =	vmul.f32 v14, v8;
	(v2sf) =	vpush v4, $0xF;
	v4 =	vld [tilespmem:$0x1FFF0];
	v10 =	vadd.f32 v0, v7  }
0x38: {  	[tilespmem:$0x1FB90] =	vst v6;
	v9 =	vadd.f32 v11, v6;
	v6 =	vmul.f32 v12, v8;
	v12 =	vadd.f32 v11, v21  }
0x39: {  	[tilespmem:$0x1FB60] =	vst v7;
	v7 =	vmul.f32 v13, v8;
	v13 =	vadd.f32 v11, v19;
	v19 =	vadd.f32 v11, v18  }
0x3a: {  	[tilespmem:$0x1FBB0] =	vst v21;
	v21 =	vadd.f32 v11, v17;
	v23 =	vadd.f32 v11, v20;
	v17 =	vtrunc.f32 v12  }
0x3b: {  	[tilespmem:$0x1FBF0] =	vst v18;
	v20 =	vtrunc.f32 v13;
	v25 =	vtrunc.f32 v19  }
0x3c: {  	[tilespmem:$0x1FB40] =	vst v3;
	v2 =	vadd.f32 v10, v46;
	v28 =	vtrunc.f32 v23;
	v1 =	vmul.f32 v4, v1  }
0x3d: {  	[tilespmem:$0x1FB50] =	vst v5;
	v4 =	vmul.f32 v4, v8;
	vm4 =	vlt.f32 v12, v17;
	vm8 =	vlt.f32 v13, v20  }
0x3e: {  	[tilespmem:$0x1FBA0] =	vst v45;
	vm9 =	vlt.f32 v19, v25;
	vm14 =	vlt.f32 v23, v28;
	v18 =	vtrunc.f32 v2  }
0x3f: {  	[tilespmem:$0x1FB80] =	vst v4;
	v5 =	vadd.f32 v11, v1;
	v0 =	vadd.f32 v10, v4;
	v4 =	vmul.f32 v15, v8  }
0x40: {  	[tilespmem:$0x1FB70] =	vst v1;
	v1 =	vadd.f32 v10, v45;
	v15 =	vtrunc.f32 v9;
	v45 =	vadd.f32 v10, v24  }
0x41: {  	[tilespmem:$0x1FC50] =	vst v24;
	v24 =	vadd.f32 v11, v27;
	v11 =	vtrunc.f32 v21;
	vm5 =	vlt.f32 v2, v18  }
0x42: {  	[tilespmem:$0x1FC00] =	vst v6;
	vm3 =	vlt.f32 v9, v15;
	vm10 =	vlt.f32 v21, v11;
	v3 =	vadd.f32 v10, v4  }
0x43: {  	[tilespmem:$0x1FBE0] =	vst v4;
	v4 =	vadd.f32 v10, v6;
	v6 =	vadd.f32 v10, v7;
	v8 =	vtrunc.f32 v5  }
0x44: {  	[tilespmem:$0x1FC10] =	vst v7;
	v14 =	vtrunc.f32 v0;
	v16 =	vtrunc.f32 v1;
	v7 =	vadd.f32 v10, v22  }
0x45: {  	v30 =	vtrunc.f32 v24;
	v31 =	vtrunc.f32 v45;
	v10 =	vimm.s32 $0x0  }
0x46: {  	v32 =	vcvt.f32.s32 v8;
	v33 =	vcvt.f32.s32 v14;
	vm0 =	vlt.f32 v0, v14  }
0x47: {  	v14 =	vcvt.f32.s32 v16;
	vm2 =	vlt.f32 v5, v8;
	v8 =	vcvt.f32.s32 v18  }
0x48: {  	vm1 =	vlt.f32 v1, v16;
	v16 =	vcvt.f32.s32 v15;
	v15 =	vcvt.f32.s32 v17  }
0x49: {  	v17 =	vcvt.f32.s32 v20;
	vm13 =	vlt.f32 v45, v31;
	vm15 =	vlt.f32 v24, v30  }
0x4a: {  	v37 =	vsel vm4, $0xFFFFFFFF, v10;
	v38 =	vsel vm5, $0xFFFFFFFF, v10;
	v39 =	vsel vm9, $0xFFFFFFFF, v10  }
0x4b: {  	[tilespmem:$0x1FC30] =	vst v22;
	v41 =	vsel vm8, $0xFFFFFFFF, v10;
	v22 =	vtrunc.f32 v3;
	v26 =	vtrunc.f32 v4  }
0x4c: {  	[tilespmem:$0x1FC60] =	vst v27;
	v49 =	vsel vm10, $0xFFFFFFFF, v10;
	v27 =	vtrunc.f32 v6;
	v29 =	vtrunc.f32 v7  }
0x4d: {  	v47 =	vsel vm1, $0xFFFFFFFF, v10;
	v35 =	vsel vm2, $0xFFFFFFFF, v10;
	v51 =	vsel vm15, $0xFFFFFFFF, v10  }
0x4e: {  	v52 =	vsel vm13, $0xFFFFFFFF, v10;
	v18 =	vcvt.f32.s32 v22;
	vm6 =	vlt.f32 v3, v22  }
0x4f: {  	v22 =	vcvt.f32.s32 v26;
	vm7 =	vlt.f32 v4, v26;
	v20 =	vcvt.f32.s32 v27  }
0x50: {  	v26 =	vcvt.f32.s32 v25;
	v25 =	vcvt.f32.s32 v11;
	vm11 =	vlt.f32 v6, v27  }
0x51: {  	v11 =	vcvt.f32.s32 v28;
	v27 =	vcvt.f32.s32 v29;
	vm12 =	vlt.f32 v7, v29  }
0x52: {  	v29 =	vcvt.f32.s32 v31;
	v28 =	vcvt.f32.s32 v30;
	v30 =	vsel vm0, $0xFFFFFFFF, v34  }
0x53: {  	v31 =	vsel vm3, $0xFFFFFFFF, v34;
	v14 =	vadd.s32 v14, v47;
	v32 =	vadd.s32 v32, v35  }
0x54: {  	v15 =	vadd.s32 v15, v37;
	v8 =	vadd.s32 v8, v38;
	v17 =	vadd.s32 v17, v41  }
0x55: {  	v36 =	vsel vm6, $0xFFFFFFFF, v10;
	v40 =	vsel vm7, $0xFFFFFFFF, v10;
	v48 =	vsel vm12, $0xFFFFFFFF, v10  }
0x56: {  	v30 =	vadd.s32 v33, v30;
	v50 =	vsel vm11, $0xFFFFFFFF, v10;
	v16 =	vadd.s32 v16, v31  }
0x57: {  	v31 =	vsel vm14, $0xFFFFFFFF, v10;
	vm0 =	vgt.s32 v32, $0x1;
	vm2 =	vgt.s32 v8, $0x1  }
0x58: {  	vm4 =	vgt.s32 v14, $0x1;
	vm5 =	vgt.s32 v17, $0x1;
	vm7 =	vgt.s32 v15, $0x1  }
0x59: {  	v22 =	vadd.s32 v22, v40;
	v18 =	vadd.s32 v18, v36;
	v25 =	vadd.s32 v25, v49  }
0x5a: {  	s22 =	spop (v2sf);
	v20 =	vadd.s32 v20, v50;
	v26 =	vadd.s32 v26, v39;
	v29 =	vadd.s32 v29, v52  }
0x5b: {  	s25 =	smul.f32 s6, s22;
	v11 =	vadd.s32 v11, v31;
	v27 =	vadd.s32 v27, v48;
	v28 =	vadd.s32 v28, v51  }
0x5c: {  	s23 =	spop (v2sf);
	s22 =	smul.f32 s7, s22;
	vm1 =	vgt.s32 v30, $0x1;
	vm3 =	vgt.s32 v16, $0x1;
	v14 =	vnsel vm4, $0x1, v14  }
0x5d: {  	s24 =	spop (v2sf);
	s28 =	smul.f32 s8, s23;
	v31 =	vnsel vm0, $0x1, v32;
	v15 =	vnsel vm7, $0x1, v15;
	v8 =	vnsel vm2, $0x1, v8  }
0x5e: {  	s23 =	smul.f32 s9, s23;
	s26 =	spop (v2sf);
	v17 =	vnsel vm5, $0x1, v17;
	vm6 =	vgt.s32 v18, $0x1;
	vm8 =	vgt.s32 v20, $0x1  }
0x5f: {  	s29 =	spop (v2sf);
	s30 =	sadd.f32 s28, s25;
	vm9 =	vgt.s32 v26, $0x1;
	vm10 =	vgt.s32 v22, $0x1;
	vm11 =	vgt.s32 v11, $0x1  }
0x60: {  	s25 =	sadd.f32 s23, s25;
	s2 =	smul.f32 s6, s26;
	vm12 =	vgt.s32 v27, $0x1;
	vm13 =	vgt.s32 v25, $0x1;
	vm14 =	vgt.s32 v28, $0x1  }
0x61: {  	s28 =	sadd.f32 s28, s22;
	s31 =	smul.f32 s8, s29;
	vm15 =	vgt.s32 v29, $0x1;
	v30 =	vnsel vm1, $0x1, v30;
	v16 =	vnsel vm3, $0x1, v16  }
0x62: {  	s22 =	sadd.f32 s23, s22;
	s23 =	smul.f32 s9, s29;
	v36 =	vmin.u32 v31, $0x1FE;
	v39 =	vmin.u32 v17, $0x1FE;
	v53 =	vnsel vm6, $0x1, v18  }
0x63: {  	s26 =	smul.f32 s7, s26;
	s29 =	sadd.f32 s31, s2;
	v26 =	vnsel vm9, $0x1, v26;
	v54 =	vnsel vm10, $0x1, v22;
	v27 =	vnsel vm12, $0x1, v27  }
0x64: {  	s25 =	smin.f32 s30, s25;
	s2 =	sadd.f32 s23, s2;
	v25 =	vnsel vm13, $0x1, v25;
	v55 =	vnsel vm8, $0x1, v20;
	v28 =	vnsel vm14, $0x1, v28  }
0x65: {  	s22 =	smin.f32 s28, s22;
	s30 =	sadd.f32 s31, s26;
	v29 =	vnsel vm15, $0x1, v29;
	v56 =	vnsel vm11, $0x1, v11;
	v20 =	vmin.u32 v14, $0x1FE  }
0x66: {  	s23 =	sadd.f32 s23, s26;
	s22 =	smin.f32 s25, s22;
	v22 =	vmin.u32 v30, $0x1FE;
	v30 =	vmin.u32 v15, $0x1FE;
	v18 =	vmin.u32 v8, $0x1FE  }
0x67: {  	s22 =	sadd.f32 s22, s24;
	v37 =	vmin.u32 v16, $0x1FE;
	v15 =	vmin.u32 v54, $0x1FE;
	v17 =	vmin.u32 v53, $0x1FE  }
0x68: {  	s2 =	smin.f32 s29, s2;
	v42 =	vmin.u32 v25, $0x1FE;
	v11 =	vmin.u32 v55, $0x1FE;
	v43 =	vmin.u32 v26, $0x1FE  }
0x69: {  	s23 =	smin.f32 s30, s23;
	s28 =	scvt.f32.s32 s22;
	v31 =	vmin.u32 v27, $0x1FE;
	v14 =	vcvt.s32.f32 v37;
	v26 =	vcvt.s32.f32 v36  }
0x6a: {  	s31 =	spop (v2sf);
	s2 =	smin.f32 s2, s23;
	v25 =	vmin.u32 v56, $0x1FE;
	v57 =	vcvt.s32.f32 v30;
	v58 =	vcvt.s32.f32 v22  }
0x6b: {  	s2 =	sadd.f32 s2, s31;
	v16 =	vmin.u32 v29, $0x1FE;
	v29 =	vcvt.s32.f32 v39;
	v61 =	vcvt.s32.f32 v20;
	s30 =	scvt.s32.f32 s28  }
0x6c: {  	v27 =	vmin.u32 v28, $0x1FE;
	v62 =	vcvt.s32.f32 v18;
	v28 =	vcvt.s32.f32 v43  }
0x6d: {  	v51 =	vshll.u32 v37, $0x7;
	v63 =	vcvt.s32.f32 v42;
	v48 =	vcvt.s32.f32 v17;
	s29 =	scvt.f32.s32 s2;
	p0 =	slt.f32 s22, s30  }
0x6e: {  	v44 =	vcvt.s32.f32 v25;
	v49 =	vcvt.s32.f32 v11;
	v8 =	vsub.f32 v9, v14;
	s22 =	simm.s32 $0x1  }
0x6f: {  	v55 =	vcvt.s32.f32 v16;
	v5 =	vsub.f32 v5, v26;
	v14 =	vsub.f32 v0, v58;
	s31 =	scvt.s32.f32 s29;
	s22 =	simm.s32 @!p0 $0x0  }
0x70: {  	v26 =	vcvt.s32.f32 v27;
	v50 =	vsub.f32 v13, v29;
	v13 =	vsub.f32 v1, v61;
	s22 =	ssub.s32 s28, s22  }
0x71: {  	v29 =	vshll.u32 v36, $0x7;
	v32 =	vsub.f32 v2, v62;
	v52 =	vsub.f32 v19, v28;
	p1 =	slt.f32 s2, s31;
	s22 =	sadd.s32 $0xFFFFFFFC, s22  }
0x72: {  	v28 =	vcvt.s32.f32 v31;
	v53 =	vsub.f32 v21, v63;
	v21 =	vshll.u32 v30, $0x7;
	s2 =	simm.s32 $0x1;
	p0 =	sgt.s32 s22, $0x0  }
0x73: {  	v54 =	vsub.f32 v3, v48;
	v56 =	vsub.f32 v23, v44;
	v29 =	vand.u32 $0x380, v29;
	s2 =	simm.s32 @!p1 $0x0;
	s22 =	simm.s32 @!p0 $0x0  }
0x74: {  	v62 =	vsub.f32 v6, v49;
	v33 =	vsub.f32 v45, v55;
	[tilespmem:$0x1FAB0] =	vst v5;
	v5 =	vcvt.s32.f32 v15;
	s2 =	ssub.s32 s29, s2;
	s22 =	smin.u32 s22, $0x160  }
0x75: {  	[tilespmem:$0x1FAD0] =	vst v8;
	v8 =	vsub.f32 v12, v57;
	v61 =	vsub.f32 v24, v26;
	v21 =	vand.u32 $0x380, v21;
	s2 =	sadd.s32 $0xFFFFFFFC, s2;
	s28 =	sand.u32 $0x1F8, s22  }
0x76: {  	v63 =	vsub.f32 v7, v28;
	v57 =	vsub.f32 v4, v5;
	p0 =	sgt.s32 s2, $0x0;
	v60 =	vmov s28  }
0x77: {  	s2 =	simm.s32 @!p0 $0x0;
	v36 =	vsub.s32 v36, v60;
	v37 =	vsub.s32 v37, v60;
	v44 =	vsub.s32 v30, v60  }
0x78: {  	s2 =	smin.u32 s2, $0x80;
	v30 =	vand.u32 $0x380, v51;
	v26 =	vshrl.u32 v36, $0x3;
	v45 =	vadd.s32 $0x1, v36  }
0x79: {  	[tilespmem:$0x1FB00] =	vst v52;
	s29 =	sand.u32 $0x80, s2;
	v51 =	vshrl.u32 v37, $0x3;
	v52 =	vshrl.u32 v44, $0x3;
	v44 =	vadd.s32 $0x1, v44  }
0x7a: {  	v59 =	vmov s29;
	v26 =	vmul.u32 $0xC00, v26;
	v36 =	vmul.u32 $0xC00, v51  }
0x7b: {  	[tilespmem:$0x1FB10] =	vst v53;
	v34 =	vmul.u32 $0xC00, v52;
	v53 =	vshrl.u32 v45, $0x3;
	v45 =	vshll.u32 v45, $0x7  }
0x7c: {  	v19 =	vsub.s32 v22, v59;
	v23 =	vsub.s32 v20, v59;
	v58 =	vsub.s32 v18, v59  }
0x7d: {  	v40 =	vmul.u32 $0xC00, v53;
	v0 =	vsub.s32 v11, v59;
	v22 =	vand.u32 $0x7F, v22  }
0x7e: {  	v45 =	vand.u32 $0x380, v45;
	v18 =	vand.u32 $0x7F, v18;
	v24 =	vadd.s32 $0x1, v19  }
0x7f: {  	[tilespmem:$0x1FAE0] =	vst v50;
	v19 =	vshll.u32 v19, $0x3;
	v50 =	vshll.u32 v58, $0x3;
	v6 =	vadd.s32 $0x1, v0  }
0x80: {  	[tilespmem:$0x1FBC0] =	vst v46;
	v28 =	vshll.u32 v24, $0x3;
	v19 =	vand.u32 $0xFFFFFC00, v19;
	v46 =	vand.u32 $0xFFFFFC00, v50  }
0x81: {  	v24 =	vand.u32 $0x7F, v24;
	v3 =	vand.u32 $0xFFFFFC00, v28;
	v28 =	vadd.s32 v19, v26  }
0x82: {  	v49 =	vadd.s32 v46, v34;
	v26 =	vadd.s32 v26, v3;
	v38 =	vor.u32 v29, v28  }
0x83: {  	v51 =	vadd.s32 v3, v40;
	v28 =	vor.u32 v29, v26;
	v29 =	vshll.u32 v23, $0x3  }
0x84: {  	v26 =	vadd.s32 $0x1, v23;
	v23 =	vadd.s32 $0x1, v58;
	v38 =	vor.u32 v22, v38  }
0x85: {  	[tilespmem:$0x1FA60] =	vst v54;
	v29 =	vand.u32 $0xFFFFFC00, v29;
	v54 =	vshll.u32 v26, $0x3;
	v55 =	vshll.u32 v23, $0x3  }
0x86: {  	v28 =	vor.u32 v24, v28;
	v26 =	vand.u32 $0x7F, v26;
	v23 =	vand.u32 $0x7F, v23  }
0x87: {  	[tilespmem:$0x1FB20] =	vst v56;
	v47 =	vand.u32 $0xFFFFFC00, v54;
	v48 =	vand.u32 $0xFFFFFC00, v55;
	v56 =	vadd.s32 v29, v36  }
0x88: {  	v54 =	vadd.s32 $0x1, v37;
	v36 =	vadd.s32 v36, v47;
	v50 =	vadd.s32 v34, v48  }
0x89: {  	v41 =	vor.u32 v30, v56;
	v34 =	vor.u32 v21, v49;
	v49 =	vadd.s32 v19, v40  }
0x8a: {  	v19 =	vsub.s32 v17, v59;
	v56 =	vshrl.u32 v54, $0x3;
	v54 =	vshll.u32 v54, $0x7  }
0x8b: {  	v17 =	vand.u32 $0x7F, v17;
	v36 =	vor.u32 v30, v36;
	v30 =	vor.u32 v21, v50  }
0x8c: {  	v50 =	vsub.s32 v39, v60;
	v35 =	vadd.s32 $0x1, v19;
	v19 =	vshll.u32 v19, $0x3  }
0x8d: {  	v39 =	vshll.u32 v39, $0x7;
	v56 =	vmul.u32 $0xC00, v56;
	v49 =	vor.u32 v45, v49  }
0x8e: {  	v45 =	vor.u32 v45, v51;
	v34 =	vor.u32 v18, v34;
	v21 =	vshrl.u32 v50, $0x3  }
0x8f: {  	[tilespmem:$0x1FA80] =	vst v57;
	v57 =	vshll.u32 v35, $0x3;
	v52 =	vand.u32 $0xFFFFFC00, v19;
	v19 =	vand.u32 $0x380, v39  }
0x90: {  	v50 =	vadd.s32 $0x1, v50;
	v22 =	vor.u32 v22, v49;
	v49 =	vand.u32 $0x380, v54  }
0x91: {  	v24 =	vor.u32 v24, v45;
	v36 =	vor.u32 v26, v36;
	v21 =	vmul.u32 $0xC00, v21  }
0x92: {  	v30 =	vor.u32 v23, v30;
	v35 =	vand.u32 $0x7F, v35;
	v53 =	vand.u32 $0xFFFFFC00, v57  }
0x93: {  	[tilespmem:$0x1FAC0] =	vst v8;
	v8 =	vadd.s32 v29, v56;
	v58 =	vadd.s32 v52, v21;
	v21 =	vadd.s32 v21, v53  }
0x94: {  	v47 =	vadd.s32 v47, v56;
	v40 =	vor.u32 v19, v58;
	v39 =	vor.u32 v19, v21  }
0x95: {  	v21 =	vshll.u32 v43, $0x7;
	v43 =	vsub.s32 v43, v60;
	v19 =	vsub.s32 v15, v59  }
0x96: {  	[tilespmem:$0x1FAF0] =	vst v61;
	v56 =	vsub.s32 v42, v60;
	v61 =	vshll.u32 v19, $0x3;
	v55 =	vshrl.u32 v43, $0x3  }
0x97: {  	v19 =	vadd.s32 $0x1, v19;
	v21 =	vand.u32 $0x380, v21;
	v7 =	vadd.s32 $0x1, v43  }
0x98: {  	v40 =	vor.u32 v17, v40;
	v39 =	vor.u32 v35, v39;
	v55 =	vmul.u32 $0xC00, v55  }
0x99: {  	[tilespmem:$0x1FA70] =	vst v62;
	v57 =	vand.u32 $0xFFFFFC00, v61;
	v62 =	vshll.u32 v19, $0x3;
	v61 =	vshrl.u32 v44, $0x3  }
0x9a: {  	v44 =	vshll.u32 v44, $0x7;
	v58 =	vand.u32 $0xFFFFFC00, v62;
	v61 =	vmul.u32 $0xC00, v61  }
0x9b: {  	v62 =	vshrl.u32 v50, $0x3;
	v44 =	vand.u32 $0x380, v44;
	v29 =	vadd.s32 v57, v55  }
0x9c: {  	v37 =	vadd.s32 v55, v58;
	v1 =	vmul.u32 $0xC00, v62;
	v55 =	vor.u32 v21, v29  }
0x9d: {  	[tilespmem:$0x1FAA0] =	vst v63;
	v63 =	vor.u32 v21, v37;
	v29 =	vshll.u32 v42, $0x7;
	v42 =	vshrl.u32 v56, $0x3  }
0x9e: {  	v37 =	vshll.u32 v0, $0x3;
	v46 =	vadd.s32 v46, v61;
	v48 =	vadd.s32 v48, v61  }
0x9f: {  	v0 =	vshrl.u32 v7, $0x3;
	v56 =	vadd.s32 $0x1, v56;
	v29 =	vand.u32 $0x380, v29  }
0xa0: {  	[tilespmem:$0x1FA90] =	vst v63;
	v42 =	vmul.u32 $0xC00, v42;
	v63 =	vshll.u32 v6, $0x3;
	v4 =	vand.u32 $0xFFFFFC00, v37  }
0xa1: {  	v52 =	vadd.s32 v52, v1;
	v53 =	vadd.s32 v53, v1;
	v37 =	vshll.u32 v25, $0x7  }
0xa2: {  	s30 =	sshll.u32 s22, $0x6;
	v25 =	vsub.s32 v25, v60;
	v0 =	vmul.u32 $0xC00, v0;
	v54 =	vor.u32 v44, v46  }
0xa3: {  	s2 =	sand.u32 $0x7E00, s30;
	v44 =	vor.u32 v44, v48;
	v46 =	vand.u32 $0x7F, v6;
	v6 =	vshll.u32 v7, $0x7  }
0xa4: {  	s2 =	sadd.s32 s1, s2;
	v62 =	vand.u32 $0xFFFFFC00, v63;
	v3 =	vshrl.u32 v25, $0x3;
	v37 =	vand.u32 $0x380, v37  }
0xa5: {  	s2 =	sadd.s32 s29, s2;
	v25 =	vadd.s32 $0x1, v25;
	v2 =	vadd.s32 v4, v42;
	v42 =	vadd.s32 v42, v62  }
0xa6: {  	[tilespmem:s3], [sflag:$0x1] =	stream.strided.gather [hbm4b:s2+s16], $0xF000, s17, s16, $0x38;
	v61 =	vor.u32 v29, v2;
	v63 =	vor.u32 v29, v42;
	v29 =	vsub.s32 v31, v59;
	[tilespmem:$0x11480] =	vst v63  }
0xa7: {  	v18 =	vor.u32 v18, v54;
	v42 =	vshll.u32 v29, $0x3;
	v29 =	vadd.s32 $0x1, v29  }
0xa8: {  	[tilespmem:s19], [sflag:$0x2] =	stream.strided.gather [hbm4b:s10+s18], $0x2000, s17, s18, $0x38;
	v23 =	vor.u32 v23, v44;
	v43 =	vmul.u32 $0xC00, v3;
	v1 =	vshll.u32 v29, $0x3;
	[tilespmem:$0x11480] =	vst v63  }
0xa9: {  	_ =	swait.ge [sflag:s14], $0x2000;
	v21 =	vadd.s32 v58, v0;
	v42 =	vand.u32 $0xFFFFFC00, v42;
	v2 =	vand.u32 $0xFFFFFC00, v1  }
0xaa: {  	v58 =	vsub.s32 v27, v60;
	[sflag:s14] =	ssyncset.done $0x0;
	v1 =	vadd.s32 v42, v43;
	v43 =	vadd.s32 v43, v2  }
0xab: {  	v27 =	vshll.u32 v27, $0x7;
	[sflag:s14] =	ssyncadd.s32 $0xFFFFE000;
	v12 =	vor.u32 v37, v1;
	v37 =	vor.u32 v37, v43  }
0xac: {  	_ =	swait.ge [sflag:s15], $0xF000;
	v43 =	vadd.s32 v57, v0;
	v57 =	vsub.s32 v16, v59;
	v0 =	vshrl.u32 v58, $0x3  }
0xad: {  	[sflag:s15] =	ssyncset.done $0x0;
	v5 =	vadd.s32 $0x1, v57;
	v57 =	vshll.u32 v57, $0x3;
	v0 =	vmul.u32 $0xC00, v0  }
0xae: {  	v27 =	vand.u32 $0x380, v27;
	[sflag:s15] =	ssyncadd.s32 $0xFFFF1000;
	v1 =	vshll.u32 v5, $0x3;
	v57 =	vand.u32 $0xFFFFFC00, v57  }
0xaf: {  	v38 =	vld.idx.msk [tilespmem:v38+s3+$0x0], $0xffff;
	v16 =	vand.u32 $0x7F, v16;
	v3 =	vand.u32 $0xFFFFFC00, v1;
	v1 =	vadd.s32 v57, v0  }
0xb0: {  	v28 =	vld.idx.msk [tilespmem:v28+s3+$0x0], $0xffff;
	v5 =	vand.u32 $0x7F, v5;
	v0 =	vadd.s32 v0, v3;
	v1 =	vor.u32 v27, v1  }
0xb1: {  	v36 =	vld.idx.msk [tilespmem:v36+s3+$0x0], $0xffff;
	v9 =	vor.u32 v27, v0;
	v27 =	vshrl.u32 v56, $0x3;
	v0 =	vshrl.u32 v25, $0x3  }
0xb2: {  	v34 =	vld.idx.msk [tilespmem:v34+s3+$0x0], $0xffff;
	v25 =	vshll.u32 v25, $0x7;
	v27 =	vmul.u32 $0xC00, v27;
	v0 =	vmul.u32 $0xC00, v0  }
0xb3: {  	v30 =	vld.idx.msk [tilespmem:v30+s3+$0x0], $0xffff;
	v1 =	vor.u32 v16, v1;
	v25 =	vand.u32 $0x380, v25;
	v7 =	vor.u32 v5, v9  }
0xb4: {  	v40 =	vld.idx.msk [tilespmem:v40+s3+$0x0], $0xffff;
	v4 =	vadd.s32 v4, v27;
	v27 =	vadd.s32 v62, v27;
	v42 =	vadd.s32 v42, v0  }
0xb5: {  	v39 =	vld.idx.msk [tilespmem:v39+s3+$0x0], $0xffff;
	v0 =	vadd.s32 v2, v0;
	v2 =	vand.u32 $0x7F, v20;
	v20 =	vadd.s32 $0x1, v58  }
0xb6: {  	v22 =	vld.idx.msk [tilespmem:v22+s3+$0x0], $0xffff;
	v62 =	vor.u32 v49, v8;
	v49 =	vor.u32 v49, v47;
	v8 =	vand.u32 $0x7F, v11  }
0xb7: {  	v18 =	vld.idx.msk [tilespmem:v18+s3+$0x0], $0xffff;
	v58 =	vshrl.u32 v20, $0x3;
	v41 =	vor.u32 v2, v41;
	v2 =	vor.u32 v2, v62  }
0xb8: {  	v23 =	vld.idx.msk [tilespmem:v23+s3+$0x0], $0xffff;
	v26 =	vor.u32 v26, v49;
	v62 =	vor.u32 v46, v63;
	v20 =	vshll.u32 v20, $0x7  }
0xb9: {  	v51 =	vmul.u32 $0xC00, v58;
	v58 =	vor.u32 v8, v61;
	v61 =	vshll.u32 v50, $0x7;
	v1 =	vld.idx.msk [tilespmem:v1+s3+$0x0], $0xffff  }
0xba: {  	v63 =	vshll.u32 v56, $0x7;
	v20 =	vand.u32 $0x380, v20;
	v49 =	vand.u32 $0x380, v61;
	v7 =	vld.idx.msk [tilespmem:v7+s3+$0x0], $0xffff  }
0xbb: {  	v47 =	vadd.s32 v57, v51;
	v3 =	vadd.s32 v3, v51;
	v51 =	vand.u32 $0x380, v63;
	v63 =	vld [tilespmem:$0x1FA80]  }
0xbc: {  	v52 =	vor.u32 v49, v52;
	v49 =	vor.u32 v49, v53;
	v61 =	vor.u32 v20, v47;
	v47 =	vld [tilespmem:$0x1FAD0]  }
0xbd: {  	v42 =	vor.u32 v25, v42;
	v0 =	vor.u32 v25, v0;
	v25 =	vor.u32 v35, v49;
	v49 =	vld [tilespmem:$0x1FAE0]  }
0xbe: {  	v17 =	vor.u32 v17, v52;
	v52 =	vld [tilespmem:$0x1FB00]  }
0xbf: {  	v4 =	vor.u32 v51, v4;
	v41 =	vld.idx.msk [tilespmem:v41+s3+$0x0], $0xffff  }
0xc0: {  	v15 =	vand.u32 $0x7F, v15;
	v4 =	vor.u32 v8, v4;
	v8 =	vld.idx.msk [tilespmem:v24+s3+$0x0], $0xffff  }
0xc1: {  	v57 =	vor.u32 v15, v55;
	v2 =	vld.idx.msk [tilespmem:v2+s3+$0x0], $0xffff  }
0xc2: {  	v3 =	vor.u32 v20, v3;
	v11 =	vld.idx.msk [tilespmem:v26+s3+$0x0], $0xffff  }
0xc3: {  	v27 =	vor.u32 v51, v27;
	v3 =	vor.u32 v5, v3;
	v5 =	vand.u32 $0x7F, v31;
	v31 =	vld [tilespmem:$0x1FA60]  }
0xc4: {  	v27 =	vor.u32 v46, v27;
	v46 =	vld [tilespmem:$0x1FAC0]  }
0xc5: {  	v19 =	vand.u32 $0x7F, v19;
	v56 =	vld.idx.msk [tilespmem:v58+s3+$0x0], $0xffff  }
0xc6: {  	v6 =	vand.u32 $0x380, v6;
	v20 =	vsub.f32 $1.000000000e+00, v14;
	v16 =	vor.u32 v16, v61;
	v55 =	vld.idx.msk [tilespmem:v57+s3+$0x0], $0xffff  }
0xc7: {  	v26 =	vsub.f32 $1.000000000e+00, v13;
	v58 =	vor.u32 v6, v43;
	v9 =	vor.u32 v5, v12;
	v57 =	vld.idx.msk [tilespmem:v62+s3+$0x0], $0xffff  }
0xc8: {  	v24 =	vmul.f32 v38, v20;
	v5 =	vor.u32 v5, v42;
	v20 =	vmul.f32 v22, v20;
	v62 =	vld [tilespmem:$0x1FA70]  }
0xc9: {  	v22 =	vmul.f32 v28, v14;
	v6 =	vor.u32 v6, v21;
	v15 =	vor.u32 v15, v58;
	v17 =	vld.idx.msk [tilespmem:v17+s3+$0x0], $0xffff  }
0xca: {  	v25 =	vld.idx.msk [tilespmem:v25+s3+$0x0], $0xffff;
	v8 =	vmul.f32 v8, v14;
	v14 =	vand.u32 $0x7F, v29;
	v28 =	vmul.f32 v41, v26  }
0xcb: {  	v2 =	vmul.f32 v2, v26;
	v29 =	vsub.f32 $1.000000000e+00, v32;
	v11 =	vmul.f32 v11, v13;
	v4 =	vld.idx.msk [tilespmem:v4+s3+$0x0], $0xffff  }
0xcc: {  	v16 =	vld.idx.msk [tilespmem:v16+s3+$0x0], $0xffff;
	v26 =	vor.u32 v14, v37;
	v0 =	vor.u32 v14, v0;
	v14 =	vmul.f32 v36, v13  }
0xcd: {  	v3 =	vld.idx.msk [tilespmem:v3+s3+$0x0], $0xffff;
	v13 =	vmul.f32 v34, v29;
	v18 =	vmul.f32 v18, v29;
	v29 =	vsub.f32 $1.000000000e+00, v31  }
0xce: {  	v12 =	vmul.f32 v23, v32;
	v6 =	vor.u32 v19, v6;
	v44 =	vadd.f32 v22, v24;
	v41 =	vld [tilespmem:$0x1FAA0]  }
0xcf: {  	v22 =	vld.idx.msk [tilespmem:v27+s3+$0x0], $0xffff;
	v23 =	vmul.f32 v40, v29;
	v17 =	vmul.f32 v17, v29;
	v29 =	vsub.f32 $1.000000000e+00, v62  }
0xd0: {  	v21 =	vmul.f32 v39, v31;
	v9 =	vld.idx.msk [tilespmem:v9+s3+$0x0], $0xffff;
	v25 =	vmul.f32 v25, v31  }
0xd1: {  	v31 =	vmul.f32 v56, v29;
	v4 =	vmul.f32 v4, v29;
	v29 =	vld [tilespmem:$0x1FA90]  }
0xd2: {  	v30 =	vmul.f32 v30, v32;
	v39 =	vsub.f32 $1.000000000e+00, v63;
	v15 =	vld.idx.msk [tilespmem:v15+s3+$0x0], $0xffff  }
0xd3: {  	v51 =	vimm.f32 $0.0e+00;
	v5 =	vld.idx.msk [tilespmem:v5+s3+$0x0], $0xffff;
	v2 =	vadd.f32 v11, v2;
	v40 =	vsub.f32 $1.000000000e+00, v33  }
0xd4: {  	v7 =	vmul.f32 v7, v33;
	v6 =	vld.idx.msk [tilespmem:v6+s3+$0x0], $0xffff;
	v13 =	vadd.f32 v30, v13;
	v30 =	vsub.f32 $1.000000000e+00, v49  }
0xd5: {  	v12 =	vadd.f32 v12, v18;
	v43 =	vsub.f32 $1.000000000e+00, v41;
	v3 =	vmul.f32 v3, v33;
	v26 =	vld.idx.msk [tilespmem:v26+s3+$0x0], $0xffff  }
0xd6: {  	v22 =	vmul.f32 v22, v62;
	v1 =	vmul.f32 v1, v40;
	v0 =	vld.idx.msk [tilespmem:v0+s3+$0x0], $0xffff;
	v29 =	vor.u32 v19, v29  }
0xd7: {  	v50 =	vld [tilespmem:$0x1FAF0];
	v16 =	vmul.f32 v16, v40;
	v21 =	vadd.f32 v21, v23;
	v15 =	vmul.f32 v15, v39  }
0xd8: {  	v23 =	vsub.f32 $1.000000000e+00, v52;
	v9 =	vmul.f32 v9, v43;
	v5 =	vmul.f32 v5, v43  }
0xd9: {  	v6 =	vmul.f32 v6, v63;
	v1 =	vadd.f32 v7, v1;
	v19 =	vmul.f32 v55, v39;
	v55 =	vld [tilespmem:$0x1FB20]  }
0xda: {  	v53 =	vld [tilespmem:$0x1FB10];
	v7 =	vsub.f32 $1.000000000e+00, v46;
	v3 =	vadd.f32 v3, v16;
	v26 =	vmul.f32 v26, v41  }
0xdb: {  	v16 =	vsub.f32 $1.000000000e+00, v47;
	v4 =	vadd.f32 v22, v4;
	v0 =	vmul.f32 v0, v41;
	v27 =	vld.idx.msk [tilespmem:v29+s3+$0x0], $0xffff  }
0xdc: {  	v45 =	vld [tilespmem:$0x1FAB0];
	v2 =	vmul.f32 v2, v47;
	v9 =	vadd.f32 v26, v9;
	v26 =	vsub.f32 $1.000000000e+00, v50  }
0xdd: {  	s22 =	simm.s32 $0xF040;
	v48 =	vld [tilespmem:$0x1FBF0];
	v6 =	vadd.f32 v6, v15;
	v0 =	vadd.f32 v0, v5;
	v29 =	vmul.f32 v57, v62  }
0xde: {  	v54 =	vld [tilespmem:s22+$0xFFFFFFC0];
	v3 =	vmul.f32 v3, v50;
	v1 =	vmul.f32 v1, v26;
	v5 =	vsub.f32 $1.000000000e+00, v55  }
0xdf: {  	v26 =	vsub.f32 $1.000000000e+00, v53;
	v0 =	vmul.f32 v0, v55;
	v29 =	vadd.f32 v29, v31;
	v31 =	vld [tilespmem:s22+$0xFFFFFFD0]  }
0xe0: {  	v15 =	vadd.f32 v25, v17;
	v56 =	vmul.f32 v9, v5;
	v9 =	vld [tilespmem:s22+$0xFFFFFFE0];
	v27 =	vmul.f32 v27, v63  }
0xe1: {  	v38 =	vld [tilespmem:s22+$0x30];
	v57 =	vmul.f32 v4, v53;
	v1 =	vadd.f32 v3, v1;
	v5 =	vmul.f32 v29, v26  }
0xe2: {  	v42 =	vld [tilespmem:$0x1FB90];
	v6 =	vmul.f32 v6, v52;
	v15 =	vmul.f32 v15, v49;
	v19 =	vadd.f32 v27, v19  }
0xe3: {  	v36 =	vld [tilespmem:$0x1FB50];
	v1 =	vmul.f32 v1, v54;
	v0 =	vadd.f32 v0, v56;
	v3 =	vadd.f32 v57, v5  }
0xe4: {  	s31 =	sadd.s32 $0x1, s5;
	v17 =	vld [tilespmem:s22+$0xFFFFFFF0];
	v5 =	vadd.f32 v14, v28;
	v14 =	vmul.f32 v21, v30;
	v4 =	vmul.f32 v19, v23  }
0xe5: {  	s2 =	scvt.s32.f32 s31;
	v1 =	vadd.f32 v1, v51;
	v0 =	vmul.f32 v0, v31;
	v58 =	vmul.f32 v3, v9;
	v9 =	vld [tilespmem:s22+$0x10]  }
0xe6: {  	v37 =	vld [tilespmem:$0x1FB60];
	v61 =	vadd.f32 v6, v4;
	v4 =	vmul.f32 v13, v7;
	v7 =	vmul.f32 v12, v46  }
0xe7: {  	v5 =	vmul.f32 v5, v16;
	v19 =	vld [tilespmem:s22+$0x0];
	v0 =	vadd.f32 v0, v1;
	v6 =	vmov s2  }
0xe8: {  	v40 =	vld [tilespmem:$0x1FB70];
	v63 =	vadd.f32 v15, v14;
	v6 =	vbroadcast v6, $0x0;
	v4 =	vadd.f32 v7, v4  }
0xe9: {  	v2 =	vadd.f32 v2, v5;
	v5 =	vld [tilespmem:$0x1FB40];
	v0 =	vadd.f32 v58, v0  }
0xea: {  	v62 =	vmul.f32 v61, v17;
	v11 =	vshrl.u32 v6, $0x10;
	v35 =	vmul.f32 v4, v9;
	v4 =	vld [tilespmem:$0x1FB30]  }
0xeb: {  	v12 =	vld [tilespmem:s22+$0x20];
	v33 =	vand.u32 $0x1, v11  }
0xec: {  	v43 =	vld [tilespmem:$0x1FBA0];
	v32 =	vmul.f32 v63, v19;
	v0 =	vadd.f32 v62, v0;
	v3 =	vadd.s32 v33, v6  }
0xed: {  	v24 =	vsub.f32 $1.000000000e+00, v45;
	v47 =	vld [tilespmem:$0x1FBE0];
	v34 =	vadd.s32 $0x7FFF, v3  }
0xee: {  	v41 =	vld [tilespmem:$0x1FB80];
	v0 =	vadd.f32 v32, v0;
	v1 =	vand.u32 $0xFFFF0000, v34  }
0xef: {  	v8 =	vadd.f32 v8, v20;
	v49 =	vld [tilespmem:$0x1FC00];
	v6 =	vmul.f32 v44, v24;
	v4 =	vmul.f32 v1, v4  }
0xf0: {  	v2 =	vmul.f32 v2, v12;
	v44 =	vld [tilespmem:$0x1FBB0];
	v0 =	vadd.f32 v35, v0;
	v1 =	vmul.f32 v1, v5  }
0xf1: {  	v46 =	vld [tilespmem:$0x1FBD0];
	v5 =	vmul.f32 v8, v45;
	v14 =	vadd.f32 v4, v36  }
0xf2: {  	v50 =	vld [tilespmem:$0x1FC10];
	v16 =	vadd.f32 v2, v0;
	v4 =	vadd.f32 v1, v37  }
0xf3: {  	v51 =	vld [tilespmem:$0x1FC20];
	v8 =	vadd.f32 v5, v6;
	v9 =	vadd.f32 v14, v40  }
0xf4: {  	v52 =	vld [tilespmem:$0x1FC30];
	v7 =	vadd.f32 v4, v41;
	v15 =	vadd.f32 v14, v42  }
0xf5: {  	v12 =	vld [tilespmem:$0x1FC40];
	v6 =	vadd.f32 v4, v43;
	v13 =	vadd.f32 v14, v44  }
0xf6: {  	v45 =	vld [tilespmem:$0x1FBC0];
	v41 =	vadd.f32 v14, v46;
	v3 =	vadd.f32 v4, v47  }
0xf7: {  	v26 =	vld [tilespmem:$0x1FC50];
	v17 =	vmul.f32 v8, v38;
	v8 =	vadd.f32 v14, v48;
	v2 =	vadd.f32 v4, v49  }
0xf8: {  	v28 =	vld [tilespmem:$0x1FC60];
	v0 =	vadd.f32 v4, v50;
	v11 =	vadd.f32 v14, v51  }
0xf9: {  	v1 =	vadd.f32 v4, v52;
	v18 =	vtrunc.f32 v9;
	v19 =	vtrunc.f32 v7  }
0xfa: {  	v12 =	vadd.f32 v14, v12;
	v20 =	vtrunc.f32 v15;
	v21 =	vtrunc.f32 v6  }
0xfb: {  	v5 =	vadd.f32 v4, v45;
	v22 =	vtrunc.f32 v13;
	v24 =	vtrunc.f32 v41  }
0xfc: {  	v4 =	vadd.f32 v4, v26;
	v25 =	vtrunc.f32 v3;
	v26 =	vtrunc.f32 v8  }
0xfd: {  	v14 =	vadd.f32 v14, v28;
	v27 =	vtrunc.f32 v2;
	v28 =	vtrunc.f32 v11  }
0xfe: {  	v29 =	vtrunc.f32 v0;
	v30 =	vtrunc.f32 v12  }
0xff: {  	v31 =	vtrunc.f32 v1;
	v23 =	vtrunc.f32 v5  }
0x100: {  	v16 =	vadd.f32 v17, v16;
	v17 =	vtrunc.f32 v4;
	v53 =	vcvt.f32.s32 v18  }
0x101: {  	v54 =	vcvt.f32.s32 v19;
	vm0 =	vlt.f32 v7, v19;
	v19 =	vcvt.f32.s32 v21  }
0x102: {  	vm1 =	vlt.f32 v6, v21;
	vm2 =	vlt.f32 v9, v18;
	v21 =	vcvt.f32.s32 v20  }
0x103: {  	vm3 =	vlt.f32 v15, v20;
	v20 =	vcvt.f32.s32 v22;
	vm4 =	vlt.f32 v13, v22  }
0x104: {  	v22 =	vcvt.f32.s32 v24;
	vm6 =	vlt.f32 v3, v25;
	vm7 =	vlt.f32 v2, v27  }
0x105: {  	vm8 =	vlt.f32 v41, v24;
	v24 =	vcvt.f32.s32 v29;
	vm9 =	vlt.f32 v8, v26  }
0x106: {  	vm10 =	vlt.f32 v11, v28;
	vm11 =	vlt.f32 v0, v29;
	v29 =	vcvt.f32.s32 v31  }
0x107: {  	vm12 =	vlt.f32 v1, v31;
	[tilespmem:$0x1FC70] =	vst v16;
	v16 =	vtrunc.f32 v14;
	v18 =	vcvt.f32.s32 v23  }
0x108: {  	vm5 =	vlt.f32 v5, v23;
	v23 =	vcvt.f32.s32 v25;
	v25 =	vcvt.f32.s32 v27  }
0x109: {  	vm14 =	vlt.f32 v12, v30;
	v27 =	vcvt.f32.s32 v26;
	v26 =	vcvt.f32.s32 v28  }
0x10a: {  	v28 =	vcvt.f32.s32 v30;
	v31 =	vcvt.f32.s32 v17;
	vm13 =	vlt.f32 v4, v17  }
0x10b: {  	v30 =	vsel vm3, $0xFFFFFFFF, v10;
	v55 =	vsel vm1, $0xFFFFFFFF, v10;
	v56 =	vsel vm2, $0xFFFFFFFF, v10  }
0x10c: {  	v57 =	vsel vm6, $0xFFFFFFFF, v10;
	v58 =	vsel vm4, $0xFFFFFFFF, v10;
	v62 =	vsel vm9, $0xFFFFFFFF, v10  }
0x10d: {  	v63 =	vsel vm7, $0xFFFFFFFF, v10;
	v44 =	vsel vm8, $0xFFFFFFFF, v10;
	v45 =	vsel vm12, $0xFFFFFFFF, v10  }
0x10e: {  	v46 =	vsel vm10, $0xFFFFFFFF, v10;
	v47 =	vsel vm11, $0xFFFFFFFF, v10;
	v49 =	vsel vm14, $0xFFFFFFFF, v10  }
0x10f: {  	v17 =	vcvt.f32.s32 v16;
	vm15 =	vlt.f32 v14, v16;
	v16 =	vsel vm0, $0xFFFFFFFF, v10  }
0x110: {  	v61 =	vsel vm5, $0xFFFFFFFF, v10;
	v19 =	vadd.s32 v19, v55;
	v32 =	vadd.s32 v53, v56  }
0x111: {  	v20 =	vadd.s32 v20, v58;
	v21 =	vadd.s32 v21, v30;
	v30 =	vsel vm13, $0xFFFFFFFF, v10  }
0x112: {  	v22 =	vadd.s32 v22, v44;
	v24 =	vadd.s32 v24, v47;
	v29 =	vadd.s32 v29, v45  }
0x113: {  	v16 =	vadd.s32 v54, v16;
	v18 =	vadd.s32 v18, v61;
	v48 =	vsel vm15, $0xFFFFFFFF, v10  }
0x114: {  	v25 =	vadd.s32 v25, v63;
	v23 =	vadd.s32 v23, v57;
	v26 =	vadd.s32 v26, v46  }
0x115: {  	v27 =	vadd.s32 v27, v62;
	v30 =	vadd.s32 v31, v30;
	v28 =	vadd.s32 v28, v49  }
0x116: {  	vm0 =	vgt.s32 v32, $0x1;
	vm3 =	vgt.s32 v21, $0x1;
	vm4 =	vgt.s32 v19, $0x1  }
0x117: {  	vm5 =	vgt.s32 v22, $0x1;
	vm7 =	vgt.s32 v20, $0x1;
	vm8 =	vgt.s32 v24, $0x1  }
0x118: {  	vm12 =	vgt.s32 v29, $0x1;
	v17 =	vadd.s32 v17, v48;
	vm1 =	vgt.s32 v16, $0x1  }
0x119: {  	vm2 =	vgt.s32 v18, $0x1;
	vm6 =	vgt.s32 v23, $0x1;
	vm9 =	vgt.s32 v27, $0x1  }
0x11a: {  	vm10 =	vgt.s32 v25, $0x1;
	vm11 =	vgt.s32 v28, $0x1;
	vm13 =	vgt.s32 v26, $0x1  }
0x11b: {  	vm15 =	vgt.s32 v30, $0x1;
	v21 =	vnsel vm3, $0x1, v21;
	v19 =	vnsel vm4, $0x1, v19  }
0x11c: {  	v31 =	vnsel vm0, $0x1, v32;
	v20 =	vnsel vm7, $0x1, v20;
	v22 =	vnsel vm5, $0x1, v22  }
0x11d: {  	v29 =	vnsel vm12, $0x1, v29;
	v24 =	vnsel vm8, $0x1, v24;
	vm14 =	vgt.s32 v17, $0x1  }
0x11e: {  	v16 =	vnsel vm1, $0x1, v16;
	v23 =	vnsel vm6, $0x1, v23;
	v18 =	vnsel vm2, $0x1, v18  }
0x11f: {  	v27 =	vnsel vm9, $0x1, v27;
	v25 =	vnsel vm10, $0x1, v25;
	v26 =	vnsel vm13, $0x1, v26  }
0x120: {  	v30 =	vnsel vm15, $0x1, v30;
	v28 =	vnsel vm11, $0x1, v28;
	v19 =	vmin.u32 v19, $0x1FE  }
0x121: {  	v31 =	vmin.u32 v31, $0x1FE;
	v20 =	vmin.u32 v20, $0x1FE;
	v21 =	vmin.u32 v21, $0x1FE  }
0x122: {  	v22 =	vmin.u32 v22, $0x1FE;
	v24 =	vmin.u32 v24, $0x1FE;
	v29 =	vmin.u32 v29, $0x1FE  }
0x123: {  	v17 =	vnsel vm14, $0x1, v17;
	v16 =	vmin.u32 v16, $0x1FE;
	v18 =	vmin.u32 v18, $0x1FE  }
0x124: {  	v25 =	vmin.u32 v25, $0x1FE;
	v23 =	vmin.u32 v23, $0x1FE;
	v26 =	vmin.u32 v26, $0x1FE  }
0x125: {  	v27 =	vmin.u32 v27, $0x1FE;
	v50 =	vcvt.s32.f32 v21;
	v51 =	vcvt.s32.f32 v31  }
0x126: {  	v28 =	vmin.u32 v28, $0x1FE;
	v52 =	vcvt.s32.f32 v20;
	v30 =	vmin.u32 v30, $0x1FE  }
0x127: {  	v54 =	vcvt.s32.f32 v22;
	v55 =	vcvt.s32.f32 v19;
	v43 =	vshll.u32 v21, $0x7  }
0x128: {  	v46 =	vshll.u32 v20, $0x7;
	v49 =	vshll.u32 v22, $0x7;
	v53 =	vcvt.s32.f32 v16  }
0x129: {  	v17 =	vmin.u32 v17, $0x1FE;
	v56 =	vcvt.s32.f32 v27;
	v57 =	vcvt.s32.f32 v18  }
0x12a: {  	v58 =	vcvt.s32.f32 v26;
	v44 =	vand.u32 $0x7F, v23;
	v47 =	vcvt.s32.f32 v30  }
0x12b: {  	v48 =	vand.u32 $0x7F, v25;
	v10 =	vsub.f32 v15, v50;
	v9 =	vsub.f32 v9, v51  }
0x12c: {  	v63 =	vsub.f32 v6, v55;
	[tilespmem:$0x1FD10] =	vst v48;
	v50 =	vsub.s32 v21, v60;
	v21 =	vand.u32 $0x7F, v30  }
0x12d: {  	v15 =	vcvt.s32.f32 v23;
	v7 =	vsub.f32 v7, v53;
	v8 =	vsub.f32 v8, v56;
	[tilespmem:$0x1FD30] =	vst v21  }
0x12e: {  	v6 =	vcvt.s32.f32 v17;
	v5 =	vsub.f32 v5, v57;
	v34 =	vsub.f32 v4, v47;
	[tilespmem:$0x1FEA0] =	vst v10  }
0x12f: {  	v4 =	vsub.s32 v18, v59;
	v21 =	vsub.s32 v30, v59;
	[tilespmem:$0x1FE60] =	vst v9;
	v9 =	vand.u32 $0x7F, v16  }
0x130: {  	v30 =	vshrl.u32 v50, $0x3;
	v10 =	vsub.f32 v41, v54;
	v62 =	vsub.f32 v3, v15;
	[tilespmem:$0x1FC80] =	vst v9  }
0x131: {  	v45 =	vsub.f32 v14, v6;
	v6 =	vsub.s32 v19, v59;
	v15 =	vsub.s32 v22, v60;
	[tilespmem:$0x1FEE0] =	vst v7  }
0x132: {  	v22 =	vshll.u32 v28, $0x7;
	v3 =	vand.u32 $0x380, v43;
	v41 =	vshll.u32 v21, $0x3;
	[tilespmem:$0x1FCB0] =	vst v8  }
0x133: {  	v42 =	vadd.s32 $0x1, v21;
	v48 =	vmul.u32 $0xC00, v30;
	v9 =	vsub.f32 v13, v52;
	[tilespmem:$0x1FF10] =	vst v5  }
0x134: {  	v7 =	vcvt.s32.f32 v25;
	v8 =	vcvt.s32.f32 v24;
	v5 =	vshll.u32 v31, $0x7;
	[tilespmem:$0x1FF60] =	vst v34  }
0x135: {  	v13 =	vsub.s32 v25, v59;
	v25 =	vshll.u32 v17, $0x7;
	v56 =	vand.u32 $0x380, v22;
	[tilespmem:$0x1FC90] =	vst v10  }
0x136: {  	v34 =	vsub.f32 $1.000000000e+00, v34;
	v10 =	vand.u32 $0x7F, v19;
	v19 =	vsub.s32 v26, v60;
	[tilespmem:$0x1FEF0] =	vst v62  }
0x137: {  	v22 =	vshll.u32 v13, $0x3;
	v13 =	vadd.s32 $0x1, v13;
	v57 =	vand.u32 $0x380, v25;
	[tilespmem:$0x1FE80] =	vst v9  }
0x138: {  	v62 =	vsub.f32 $1.000000000e+00, v62;
	v9 =	vcvt.s32.f32 v28;
	[tilespmem:$0x1FCA0] =	vst v10;
	v10 =	vsub.f32 v11, v58  }
0x139: {  	v61 =	vsub.f32 v2, v7;
	v14 =	vsub.f32 v0, v8;
	v7 =	vsub.s32 v31, v60  }
0x13a: {  	v8 =	vsub.s32 v23, v59;
	v11 =	vsub.s32 v20, v60;
	v20 =	vand.u32 $0x7F, v24  }
0x13b: {  	v23 =	vsub.s32 v28, v60;
	v2 =	vand.u32 $0x380, v46;
	v28 =	vadd.s32 $0x1, v4  }
0x13c: {  	v31 =	vadd.s32 $0x1, v50;
	v38 =	vshrl.u32 v19, $0x3;
	v19 =	vadd.s32 $0x1, v19  }
0x13d: {  	[tilespmem:$0x1FD20] =	vst v20;
	v20 =	vsub.s32 v24, v59;
	v24 =	vand.u32 $0x7F, v29;
	v53 =	vshrl.u32 v7, $0x3  }
0x13e: {  	[tilespmem:$0x1FDB0] =	vst v56;
	v54 =	vadd.s32 $0x1, v7;
	v33 =	vshll.u32 v8, $0x3;
	v39 =	vshrl.u32 v23, $0x3  }
0x13f: {  	[tilespmem:$0x1FD80] =	vst v2;
	v40 =	vadd.s32 $0x1, v23;
	v35 =	vshll.u32 v31, $0x7;
	v31 =	vshrl.u32 v31, $0x3  }
0x140: {  	v2 =	vshll.u32 v13, $0x3;
	v56 =	vshll.u32 v19, $0x7;
	[tilespmem:$0x1FCC0] =	vst v10;
	v10 =	vand.u32 $0x7F, v18  }
0x141: {  	v9 =	vsub.f32 v12, v9;
	v18 =	vshll.u32 v26, $0x7;
	[tilespmem:$0x1FD40] =	vst v24;
	v24 =	vsub.s32 v29, v59  }
0x142: {  	[tilespmem:$0x1FD00] =	vst v45;
	v26 =	vsub.s32 v17, v60;
	v17 =	vand.u32 $0x380, v5;
	v5 =	vadd.s32 $0x1, v6  }
0x143: {  	[tilespmem:$0x1FDC0] =	vst v57;
	v36 =	vadd.s32 $0x1, v20;
	v20 =	vshll.u32 v20, $0x3;
	v7 =	vmul.u32 $0xC00, v53  }
0x144: {  	[tilespmem:$0x1FF00] =	vst v62;
	v45 =	vshll.u32 v54, $0x7;
	v57 =	vshrl.u32 v54, $0x3;
	v54 =	vmul.u32 $0xC00, v38  }
0x145: {  	v50 =	vmul.u32 $0xC00, v39;
	v62 =	vsub.f32 $1.000000000e+00, v61;
	[tilespmem:$0x1FCD0] =	vst v10;
	v10 =	vsub.s32 v16, v59  }
0x146: {  	[tilespmem:$0x1FD60] =	vst v60;
	v16 =	vsub.s32 v27, v60;
	v60 =	vshrl.u32 v11, $0x3;
	v11 =	vadd.s32 $0x1, v11  }
0x147: {  	v55 =	vand.u32 $0x380, v18;
	v18 =	vshrl.u32 v15, $0x3;
	v15 =	vadd.s32 $0x1, v15  }
0x148: {  	v25 =	vshll.u32 v24, $0x3;
	v24 =	vadd.s32 $0x1, v24;
	v43 =	vshrl.u32 v26, $0x3  }
0x149: {  	v26 =	vadd.s32 $0x1, v26;
	v21 =	vand.u32 $0xFFFFFC00, v20;
	v38 =	vand.u32 $0x7F, v36  }
0x14a: {  	v20 =	vshll.u32 v36, $0x3;
	[tilespmem:$0x1FCE0] =	vst v9;
	v9 =	vcvt.s32.f32 v29;
	v51 =	vadd.s32 $0x1, v10  }
0x14b: {  	v52 =	vshll.u32 v10, $0x3;
	v10 =	vand.u32 $0x380, v49;
	v29 =	vshll.u32 v4, $0x3  }
0x14c: {  	[tilespmem:$0x1FCF0] =	vst v44;
	v37 =	vshrl.u32 v16, $0x3;
	v16 =	vadd.s32 $0x1, v16;
	v46 =	vmul.u32 $0xC00, v60  }
0x14d: {  	[tilespmem:$0x1FD70] =	vst v3;
	v60 =	vand.u32 $0x7F, v28;
	v28 =	vshll.u32 v28, $0x3;
	v47 =	vmul.u32 $0xC00, v18  }
0x14e: {  	[tilespmem:$0x1FDA0] =	vst v55;
	v55 =	vshll.u32 v11, $0x7;
	v11 =	vshrl.u32 v11, $0x3;
	v3 =	vshrl.u32 v15, $0x3  }
0x14f: {  	[tilespmem:$0x1FE20] =	vst v38;
	v44 =	vand.u32 $0x7F, v24;
	v38 =	vshll.u32 v24, $0x3;
	v4 =	vshrl.u32 v19, $0x3  }
0x150: {  	v49 =	vand.u32 $0x7F, v42;
	v19 =	vand.u32 $0x380, v35;
	v58 =	vand.u32 $0x7F, v51  }
0x151: {  	v0 =	vshll.u32 v51, $0x3;
	v53 =	vmul.u32 $0xC00, v37;
	v37 =	vand.u32 $0x7F, v13  }
0x152: {  	[tilespmem:$0x1FDF0] =	vst v60;
	v36 =	vshll.u32 v16, $0x7;
	v16 =	vshrl.u32 v16, $0x3;
	v51 =	vmul.u32 $0xC00, v43  }
0x153: {  	[tilespmem:$0x1FE40] =	vst v49;
	v60 =	vshll.u32 v42, $0x3;
	v49 =	vshll.u32 v26, $0x7;
	v39 =	vand.u32 $0xFFFFFC00, v28  }
0x154: {  	[tilespmem:$0x1FD50] =	vst v59;
	v43 =	vmul.u32 $0xC00, v31;
	v12 =	vsub.f32 v1, v9;
	v9 =	vshll.u32 v27, $0x7  }
0x155: {  	v28 =	vand.u32 $0x380, v56;
	v56 =	vand.u32 $0xFFFFFC00, v20;
	[tilespmem:$0x1FE10] =	vst v37;
	v59 =	vand.u32 $0x380, v9  }
0x156: {  	v27 =	vshll.u32 v6, $0x3;
	v37 =	vshll.u32 v15, $0x7;
	[tilespmem:$0x1FD90] =	vst v59;
	v59 =	vand.u32 $0x7F, v5  }
0x157: {  	v15 =	vand.u32 $0x380, v45;
	v45 =	vmul.u32 $0xC00, v57;
	[tilespmem:$0x1FDE0] =	vst v59;
	v59 =	vshrl.u32 v40, $0x3  }
0x158: {  	[tilespmem:$0x1FEC0] =	vst v63;
	v57 =	vand.u32 $0x380, v36;
	v36 =	vand.u32 $0xFFFFFC00, v38;
	v38 =	vmul.u32 $0xC00, v59;
	v59 =	vld [tilespmem:$0x1FE60]  }
0x159: {  	[tilespmem:$0x1FF70] =	vst v34;
	v1 =	vadd.s32 $0x1, v8;
	v6 =	vand.u32 $0xFFFFFC00, v52;
	v52 =	vshll.u32 v5, $0x3  }
0x15a: {  	[tilespmem:$0x1FE30] =	vst v44;
	v8 =	vand.u32 $0xFFFFFC00, v29;
	v29 =	vand.u32 $0xFFFFFC00, v33;
	v35 =	vand.u32 $0xFFFFFC00, v60;
	v60 =	vld [tilespmem:$0x1FE80]  }
0x15b: {  	[tilespmem:$0x1FDD0] =	vst v58;
	v58 =	vshll.u32 v40, $0x7;
	v44 =	vand.u32 $0xFFFFFC00, v0;
	v31 =	vand.u32 $0x380, v49  }
0x15c: {  	[tilespmem:$0x1FF30] =	vst v14;
	v49 =	vld [tilespmem:$0x1FEA0];
	v32 =	vand.u32 $0xFFFFFC00, v27;
	v33 =	vand.u32 $0x7F, v1;
	v18 =	vshll.u32 v1, $0x3  }
0x15d: {  	[tilespmem:$0x1FF40] =	vst v61;
	v27 =	vand.u32 $0xFFFFFC00, v22;
	v22 =	vand.u32 $0xFFFFFC00, v41;
	v0 =	vsub.f32 $1.000000000e+00, v59  }
0x15e: {  	v1 =	vshrl.u32 v26, $0x3;
	v42 =	vand.u32 $0xFFFFFC00, v52;
	[tilespmem:$0x1FE50] =	vst v57;
	v59 =	vsub.f32 $1.000000000e+00, v63;
	v63 =	vld [tilespmem:$0x1FF10]  }
0x15f: {  	v24 =	vand.u32 $0x380, v37;
	v41 =	vmul.u32 $0xC00, v11;
	[tilespmem:$0x1FE70] =	vst v0;
	v0 =	vsub.f32 $1.000000000e+00, v60  }
0x160: {  	v57 =	vand.u32 $0xFFFFFC00, v2;
	v26 =	vand.u32 $0x380, v58;
	v58 =	vmul.u32 $0xC00, v16;
	[tilespmem:$0x1FE00] =	vst v33;
	v60 =	vld [tilespmem:$0x1FEE0]  }
0x161: {  	v33 =	vand.u32 $0xFFFFFC00, v25;
	v25 =	vand.u32 $0x380, v55;
	[tilespmem:$0x1FE90] =	vst v0;
	v0 =	vsub.f32 $1.000000000e+00, v49  }
0x162: {  	v52 =	vand.u32 $0xFFFFFC00, v18;
	v55 =	vmul.u32 $0xC00, v3;
	v37 =	vmul.u32 $0xC00, v1;
	[tilespmem:$0x1FF50] =	vst v12  }
0x163: {  	v61 =	vsub.f32 $1.000000000e+00, v12;
	v40 =	vmul.u32 $0xC00, v4;
	[tilespmem:$0x1FEB0] =	vst v0;
	v0 =	vsub.f32 $1.000000000e+00, v63  }
0x164: {  	[tilespmem:$0x1FED0] =	vst v59;
	v59 =	vadd.s32 v32, v48;
	v48 =	vadd.s32 v48, v42;
	v49 =	vadd.s32 v7, v44  }
0x165: {  	s23 =	simm.s32 $0x2;
	v63 =	vsub.f32 $1.000000000e+00, v14;
	v20 =	vsub.f32 $1.000000000e+00, v60;
	v60 =	vadd.s32 v6, v7;
	[tilespmem:$0x1FF20] =	vst v0  }
.LBB2_2:
0x166: {  	v3 =	vld [tilespmem:$0x1FC80]  }
0x167: {  	v4 =	vld [tilespmem:$0x1FD70]  }
0x168: {  	v18 =	vld [tilespmem:$0x1FDD0]  }
0x169: {  	v2 =	vld [tilespmem:$0x1FCA0]  }
0x16a: {  	v5 =	vld [tilespmem:$0x1FDE0]  }
0x16b: {  	v11 =	vld [tilespmem:$0x1FDF0]  }
0x16c: {  	v1 =	vadd.s32 v33, v50;
	[tilespmem:$0x1F970] =	vst v62;
	v62 =	vadd.s32 v8, v46;
	v30 =	vadd.s32 v8, v41;
	v8 =	vld [tilespmem:$0x1FDB0]  }
0x16d: {  	v60 =	vor.u32 v17, v60;
	v34 =	vor.u32 v4, v59;
	v12 =	vor.u32 v4, v48;
	v4 =	vld [tilespmem:$0x1FD80]  }
0x16e: {  	v13 =	vld [tilespmem:$0x1FCF0];
	v32 =	vadd.s32 v32, v43;
	v17 =	vor.u32 v17, v49;
	v60 =	vor.u32 v3, v60  }
0x16f: {  	v16 =	vmovc v22;
	v7 =	vld [tilespmem:$0x1FD40];
	v0 =	vadd.s32 v21, v54;
	v23 =	vadd.s32 v21, v40;
	v17 =	vor.u32 v18, v17  }
0x170: {  	v32 =	vor.u32 v19, v32;
	v21 =	vadd.s32 v16, v37;
	v16 =	vld [tilespmem:$0x1FED0];
	v49 =	vadd.s32 v50, v36  }
0x171: {  	[tilespmem:$0x1F990] =	vst v61;
	v61 =	vadd.s32 v29, v47;
	v1 =	vor.u32 v8, v1;
	v49 =	vor.u32 v8, v49;
	v8 =	vld [tilespmem:$0x1FDC0]  }
0x172: {  	v32 =	vor.u32 v2, v32;
	v50 =	vor.u32 v2, v34;
	v34 =	vor.u32 v4, v62;
	v62 =	vld [tilespmem:$0x1FCD0]  }
0x173: {  	v46 =	vadd.s32 v46, v39;
	v39 =	vadd.s32 v39, v41;
	v29 =	vadd.s32 v29, v55;
	v60 =	vld.idx.msk [tilespmem:v60+s3+$0x0], $0xffff  }
0x174: {  	v59 =	vadd.s32 v22, v51;
	v22 =	vadd.s32 v33, v38;
	v30 =	vor.u32 v25, v30;
	v17 =	vld.idx.msk [tilespmem:v17+s3+$0x0], $0xffff  }
0x175: {  	v25 =	vor.u32 v25, v39;
	v12 =	vor.u32 v5, v12;
	v14 =	vor.u32 v4, v46;
	v4 =	vld [tilespmem:$0x1FD90]  }
0x176: {  	v29 =	vor.u32 v24, v29;
	v25 =	vor.u32 v11, v25;
	v46 =	vor.u32 v10, v61;
	v61 =	vld [tilespmem:$0x1FE10]  }
0x177: {  	v29 =	vor.u32 v13, v29;
	v22 =	vor.u32 v26, v22;
	v32 =	vld.idx.msk [tilespmem:v32+s3+$0x0], $0xffff  }
0x178: {  	v47 =	vadd.s32 v47, v52;
	v22 =	vor.u32 v7, v22;
	v1 =	vor.u32 v7, v1;
	v7 =	vld [tilespmem:$0x1FEF0]  }
0x179: {  	v10 =	vor.u32 v10, v47;
	v47 =	vld.idx.msk [tilespmem:v50+s3+$0x0], $0xffff  }
0x17a: {  	v12 =	vld.idx.msk [tilespmem:v12+s3+$0x0], $0xffff  }
0x17b: {  	v25 =	vld.idx.msk [tilespmem:v25+s3+$0x0], $0xffff  }
0x17c: {  	v29 =	vld.idx.msk [tilespmem:v29+s3+$0x0], $0xffff  }
0x17d: {  	[tilespmem:$0x1F980] =	vst v63;
	v63 =	vadd.s32 v27, v53;
	v14 =	vor.u32 v11, v14;
	v11 =	vld [tilespmem:$0x1FF00]  }
0x17e: {  	v44 =	vadd.s32 v44, v45;
	v48 =	vadd.s32 v51, v35;
	v22 =	vld.idx.msk [tilespmem:v22+s3+$0x0], $0xffff;
	v51 =	vor.u32 v62, v34  }
0x17f: {  	v34 =	vadd.s32 v6, v45;
	v45 =	vor.u32 v13, v46;
	v46 =	vor.u32 v4, v63;
	v63 =	vld [tilespmem:$0x1FE00]  }
0x180: {  	v53 =	vadd.s32 v53, v57;
	v6 =	vld [tilespmem:$0x1FD10]  }
0x181: {  	v9 =	vor.u32 v4, v53;
	v4 =	vld [tilespmem:$0x1FDA0]  }
0x182: {  	v53 =	vld [tilespmem:$0x1FD20]  }
0x183: {  	v1 =	vld.idx.msk [tilespmem:v1+s3+$0x0], $0xffff  }
0x184: {  	v54 =	vadd.s32 v54, v56;
	v13 =	vld [tilespmem:$0x1FF10]  }
0x185: {  	v40 =	vadd.s32 v56, v40;
	v56 =	vadd.s32 v35, v37;
	v35 =	vmul.f32 v60, v20;
	v60 =	vld [tilespmem:$0x1FF60]  }
0x186: {  	v30 =	vor.u32 v62, v30;
	v62 =	vld [tilespmem:$0x1FC90]  }
0x187: {  	v14 =	vld.idx.msk [tilespmem:v14+s3+$0x0], $0xffff  }
0x188: {  	v42 =	vadd.s32 v42, v43;
	v43 =	vor.u32 v6, v46;
	v46 =	vld.idx.msk [tilespmem:v51+s3+$0x0], $0xffff  }
0x189: {  	v0 =	vor.u32 v4, v0;
	v4 =	vor.u32 v4, v54;
	v54 =	vld [tilespmem:$0x1FE20]  }
0x18a: {  	v41 =	vld.idx.msk [tilespmem:v45+s3+$0x0], $0xffff  }
0x18b: {  	v9 =	vor.u32 v61, v9;
	v45 =	vadd.s32 v52, v55;
	v55 =	vld [tilespmem:$0x1FE30]  }
0x18c: {  	v52 =	vld [tilespmem:$0x1FD30]  }
0x18d: {  	v51 =	vadd.s32 v57, v58;
	v57 =	vld [tilespmem:$0x1FE40]  }
0x18e: {  	v27 =	vadd.s32 v27, v58;
	v30 =	vld.idx.msk [tilespmem:v30+s3+$0x0], $0xffff  }
0x18f: {  	v59 =	vor.u32 v8, v59;
	v34 =	vor.u32 v15, v34;
	v58 =	vor.u32 v15, v44;
	v15 =	vld [tilespmem:$0x1FEE0]  }
0x190: {  	v48 =	vor.u32 v8, v48;
	v8 =	vor.u32 v19, v42;
	v10 =	vor.u32 v63, v10;
	v9 =	vld.idx.msk [tilespmem:v9+s3+$0x0], $0xffff  }
0x191: {  	v23 =	vor.u32 v28, v23;
	v44 =	vor.u32 v18, v58;
	v58 =	vor.u32 v5, v8;
	v5 =	vld [tilespmem:$0x1FE50]  }
0x192: {  	v23 =	vor.u32 v53, v23;
	v18 =	vld [tilespmem:$0x1FF20]  }
0x193: {  	v0 =	vor.u32 v53, v0;
	v53 =	vld [tilespmem:$0x1F970]  }
0x194: {  	v24 =	vor.u32 v24, v45;
	v45 =	vld [tilespmem:$0x1FF40]  }
0x195: {  	v10 =	vld.idx.msk [tilespmem:v10+s3+$0x0], $0xffff  }
0x196: {  	v43 =	vld.idx.msk [tilespmem:v43+s3+$0x0], $0xffff  }
0x197: {  	v28 =	vor.u32 v28, v40;
	v23 =	vld.idx.msk [tilespmem:v23+s3+$0x0], $0xffff  }
0x198: {  	v21 =	vor.u32 v31, v21;
	v4 =	vor.u32 v54, v4;
	v28 =	vor.u32 v54, v28;
	v54 =	vld [tilespmem:$0x1F980]  }
0x199: {  	v50 =	vor.u32 v52, v59;
	v59 =	vadd.s32 v36, v38;
	v36 =	vmul.f32 v47, v16;
	v47 =	vld [tilespmem:$0x1FF30]  }
0x19a: {  	v21 =	vor.u32 v52, v21;
	v52 =	vld [tilespmem:$0x1F990]  }
0x19b: {  	v24 =	vor.u32 v63, v24;
	v0 =	vld.idx.msk [tilespmem:v0+s3+$0x0], $0xffff  }
0x19c: {  	v34 =	vor.u32 v3, v34;
	v3 =	vld.idx.msk [tilespmem:v44+s3+$0x0], $0xffff  }
0x19d: {  	v49 =	vor.u32 v55, v49;
	v2 =	vld.idx.msk [tilespmem:v58+s3+$0x0], $0xffff  }
0x19e: {  	v26 =	vor.u32 v26, v59;
	v59 =	vld [tilespmem:$0x1FEC0]  }
0x19f: {  	v48 =	vor.u32 v57, v48;
	v58 =	vld [tilespmem:$0x1FCE0]  }
0x1a0: {  	v24 =	vld.idx.msk [tilespmem:v24+s3+$0x0], $0xffff  }
0x1a1: {  	v4 =	vld.idx.msk [tilespmem:v4+s3+$0x0], $0xffff  }
0x1a2: {  	v31 =	vor.u32 v31, v56;
	v19 =	vmul.f32 v32, v16;
	v33 =	vld.idx.msk [tilespmem:v49+s3+$0x0], $0xffff  }
0x1a3: {  	v25 =	vmul.f32 v25, v13;
	v14 =	vmul.f32 v14, v13;
	v27 =	vor.u32 v5, v27;
	v38 =	vld.idx.msk [tilespmem:v50+s3+$0x0], $0xffff  }
0x1a4: {  	v17 =	vmul.f32 v17, v15;
	v27 =	vor.u32 v6, v27;
	v6 =	vor.u32 v57, v31;
	v8 =	vld.idx.msk [tilespmem:v48+s3+$0x0], $0xffff  }
0x1a5: {  	v37 =	vmul.f32 v41, v11;
	v16 =	vmul.f32 v29, v11;
	v21 =	vld.idx.msk [tilespmem:v21+s3+$0x0], $0xffff  }
0x1a6: {  	v9 =	vmul.f32 v9, v45;
	v31 =	vmul.f32 v46, v18;
	v26 =	vor.u32 v55, v26;
	v48 =	vld [tilespmem:$0x1FF50]  }
0x1a7: {  	v18 =	vmul.f32 v30, v18;
	v10 =	vmul.f32 v10, v7;
	v50 =	vld [tilespmem:$0x1FF70]  }
0x1a8: {  	v5 =	vor.u32 v5, v51;
	v1 =	vmul.f32 v1, v52;
	v28 =	vld.idx.msk [tilespmem:v28+s3+$0x0], $0xffff;
	v13 =	vmul.f32 v23, v54  }
0x1a9: {  	v5 =	vor.u32 v61, v5;
	v12 =	vmul.f32 v12, v59;
	v0 =	vmul.f32 v0, v54;
	v6 =	vld.idx.msk [tilespmem:v6+s3+$0x0], $0xffff  }
0x1aa: {  	v3 =	vmul.f32 v3, v15;
	v2 =	vmul.f32 v2, v59;
	v59 =	vld [tilespmem:$0x1FD00]  }
0x1ab: {  	v26 =	vld.idx.msk [tilespmem:v26+s3+$0x0], $0xffff;
	v24 =	vmul.f32 v24, v7;
	v7 =	vmul.f32 v22, v52  }
0x1ac: {  	v51 =	vld [tilespmem:$0x1FCB0];
	v4 =	vmul.f32 v4, v47;
	v33 =	vmul.f32 v33, v48  }
0x1ad: {  	v63 =	vsub.f32 $1.000000000e+00, v62;
	v27 =	vld.idx.msk [tilespmem:v27+s3+$0x0], $0xffff;
	v38 =	vmul.f32 v38, v50;
	v8 =	vmul.f32 v8, v60  }
0x1ae: {  	v30 =	vsub.f32 $1.000000000e+00, v58;
	v5 =	vld.idx.msk [tilespmem:v5+s3+$0x0], $0xffff;
	v15 =	vmul.f32 v21, v50;
	v6 =	vmul.f32 v6, v60  }
0x1af: {  	v22 =	vmul.f32 v28, v47;
	v29 =	vsub.f32 $1.000000000e+00, v59;
	v8 =	vadd.f32 v8, v38  }
0x1b0: {  	s22 =	sadd.s32 $0x80, s22;
	v56 =	vld [tilespmem:$0x1FCC0];
	v1 =	vadd.f32 v33, v1;
	v6 =	vadd.f32 v6, v15;
	v15 =	vmul.f32 v26, v48  }
0x1b1: {  	v39 =	vmul.f32 v43, v53;
	v21 =	vld [tilespmem:s22+$0xFFFFFFC0];
	v0 =	vadd.f32 v4, v0;
	v4 =	vadd.f32 v22, v13  }
0x1b2: {  	v13 =	vld [tilespmem:$0x1FC70];
	v8 =	vmul.f32 v8, v29;
	v6 =	vmul.f32 v6, v59;
	v7 =	vadd.f32 v15, v7  }
0x1b3: {  	v55 =	vsub.f32 $1.000000000e+00, v51;
	v11 =	vmul.f32 v27, v53;
	v5 =	vmul.f32 v5, v45;
	v15 =	vld [tilespmem:s22+$0xFFFFFFD0]  }
0x1b4: {  	v1 =	vmul.f32 v1, v30;
	v6 =	vadd.f32 v6, v8;
	v7 =	vmul.f32 v7, v58  }
0x1b5: {  	v40 =	vld [tilespmem:$0x1FB60];
	v9 =	vadd.f32 v9, v39;
	v5 =	vadd.f32 v5, v11  }
0x1b6: {  	v42 =	vld [tilespmem:$0x1FB80];
	v57 =	vsub.f32 $1.000000000e+00, v56;
	v6 =	vmul.f32 v6, v21;
	v1 =	vadd.f32 v7, v1  }
0x1b7: {  	v10 =	vadd.f32 v10, v37;
	v5 =	vmul.f32 v5, v51;
	v8 =	vld [tilespmem:s22+$0xFFFFFFE0];
	v7 =	vmul.f32 v9, v55  }
0x1b8: {  	v0 =	vmul.f32 v0, v57;
	v9 =	vld [tilespmem:s22+$0xFFFFFFF0];
	v6 =	vadd.f32 v6, v13;
	v1 =	vmul.f32 v1, v15  }
0x1b9: {  	v4 =	vmul.f32 v4, v56;
	v11 =	vadd.f32 v24, v16;
	v5 =	vadd.f32 v5, v7;
	v7 =	vld [tilespmem:$0x1FE80]  }
0x1ba: {  	v1 =	vadd.f32 v1, v6;
	v6 =	vld [tilespmem:$0x1FE90]  }
0x1bb: {  	v34 =	vld.idx.msk [tilespmem:v34+s3+$0x0], $0xffff;
	v0 =	vadd.f32 v4, v0;
	v4 =	vmul.f32 v10, v63;
	v10 =	vmul.f32 v11, v62  }
0x1bc: {  	v14 =	vadd.f32 v14, v31;
	v11 =	vld [tilespmem:s22+$0x0]  }
0x1bd: {  	v4 =	vadd.f32 v10, v4;
	v10 =	vld [tilespmem:$0x1FE60];
	v13 =	vadd.f32 v25, v18  }
0x1be: {  	v0 =	vmul.f32 v0, v8;
	v60 =	vmul.f32 v5, v9;
	v9 =	vld [tilespmem:$0x1FEA0]  }
0x1bf: {  	v5 =	vld [tilespmem:$0x1FEB0];
	v7 =	vmul.f32 v13, v7;
	v6 =	vmul.f32 v14, v6  }
0x1c0: {  	v20 =	vmul.f32 v34, v20;
	v2 =	vadd.f32 v2, v19;
	v8 =	vld [tilespmem:s22+$0x10]  }
0x1c1: {  	s2 =	sadd.s32 s23, s5;
	v61 =	vmul.f32 v4, v11;
	v0 =	vadd.f32 v0, v1;
	v4 =	vadd.f32 v7, v6;
	v7 =	vld [tilespmem:$0x1FE70]  }
0x1c2: {  	s2 =	scvt.s32.f32 s2;
	v41 =	vld [tilespmem:$0x1FB70];
	v12 =	vadd.f32 v12, v36;
	v3 =	vadd.f32 v3, v20  }
0x1c3: {  	v17 =	vadd.f32 v17, v35;
	v0 =	vadd.f32 v60, v0;
	v2 =	vmul.f32 v2, v9;
	v9 =	vld [tilespmem:s22+$0x20]  }
0x1c4: {  	v44 =	vld [tilespmem:$0x1FBA0];
	v3 =	vmul.f32 v3, v10;
	v5 =	vmul.f32 v12, v5;
	v6 =	vmov s2  }
0x1c5: {  	v10 =	vld [tilespmem:s22+$0x30];
	v0 =	vadd.f32 v61, v0;
	v62 =	vmul.f32 v4, v8;
	v4 =	vbroadcast v6, $0x0  }
0x1c6: {  	v43 =	vld [tilespmem:$0x1FB90];
	v2 =	vadd.f32 v2, v5;
	v7 =	vmul.f32 v17, v7  }
0x1c7: {  	v37 =	vld [tilespmem:$0x1FB30];
	v0 =	vadd.f32 v62, v0;
	v33 =	vshrl.u32 v4, $0x10  }
0x1c8: {  	v39 =	vld [tilespmem:$0x1FB50];
	v63 =	vmul.f32 v2, v9;
	v32 =	vadd.f32 v3, v7;
	v3 =	vand.u32 $0x1, v33  }
0x1c9: {  	v38 =	vld [tilespmem:$0x1FB40];
	v35 =	vadd.s32 v3, v4  }
0x1ca: {  	v49 =	vld [tilespmem:$0x1FBF0];
	v0 =	vadd.f32 v63, v0;
	v34 =	vmul.f32 v32, v10;
	v2 =	vadd.s32 $0x7FFF, v35  }
0x1cb: {  	v47 =	vld [tilespmem:$0x1FBD0];
	v36 =	vand.u32 $0xFFFF0000, v2  }
0x1cc: {  	v45 =	vld [tilespmem:$0x1FBB0];
	v0 =	vadd.f32 v34, v0;
	v1 =	vmul.f32 v36, v37  }
0x1cd: {  	v53 =	vld [tilespmem:$0x1FC20]  }
0x1ce: {  	v55 =	vld [tilespmem:$0x1FC40];
	[tilespmem:$0x1FC70] =	vst v0;
	v0 =	vmul.f32 v36, v38;
	v1 =	vadd.f32 v1, v39  }
0x1cf: {  	v58 =	vld [tilespmem:$0x1FC60]  }
0x1d0: {  	v46 =	vld [tilespmem:$0x1FBC0];
	v0 =	vadd.f32 v0, v40;
	v16 =	vadd.f32 v1, v41  }
0x1d1: {  	v48 =	vld [tilespmem:$0x1FBE0];
	v32 =	vadd.f32 v1, v43;
	v20 =	vadd.f32 v1, v45  }
0x1d2: {  	v50 =	vld [tilespmem:$0x1FC00];
	v19 =	vadd.f32 v1, v47;
	v18 =	vadd.f32 v1, v49  }
0x1d3: {  	v51 =	vld [tilespmem:$0x1FC10];
	v37 =	vadd.f32 v1, v53;
	v38 =	vadd.f32 v1, v55  }
0x1d4: {  	v54 =	vld [tilespmem:$0x1FC30];
	v40 =	vadd.f32 v1, v58;
	v15 =	vadd.f32 v0, v42  }
0x1d5: {  	v62 =	vimm.s32 $0x0;
	v11 =	vadd.f32 v0, v44;
	v30 =	vadd.f32 v0, v46  }
0x1d6: {  	v5 =	vadd.f32 v0, v48;
	v4 =	vtrunc.f32 v16;
	v9 =	vtrunc.f32 v32  }
0x1d7: {  	v7 =	vadd.f32 v0, v50;
	v12 =	vtrunc.f32 v20;
	v17 =	vtrunc.f32 v19  }
0x1d8: {  	v52 =	vadd.f32 v0, v51;
	v57 =	vtrunc.f32 v18;
	v59 =	vtrunc.f32 v37  }
0x1d9: {  	v6 =	vadd.f32 v0, v54;
	v24 =	vtrunc.f32 v38;
	v26 =	vtrunc.f32 v40  }
0x1da: {  	v56 =	vld [tilespmem:$0x1FC50];
	v28 =	vcvt.f32.s32 v4;
	vm1 =	vlt.f32 v16, v4;
	vm5 =	vlt.f32 v32, v9  }
0x1db: {  	vm3 =	vlt.f32 v20, v12;
	vm8 =	vlt.f32 v19, v17;
	vm9 =	vlt.f32 v18, v57  }
0x1dc: {  	v60 =	vcvt.f32.s32 v59;
	vm10 =	vlt.f32 v37, v59;
	v61 =	vcvt.f32.s32 v24  }
0x1dd: {  	vm14 =	vlt.f32 v38, v24;
	v24 =	vcvt.f32.s32 v26;
	v8 =	vtrunc.f32 v15  }
0x1de: {  	vm15 =	vlt.f32 v40, v26;
	v10 =	vtrunc.f32 v11;
	v14 =	vtrunc.f32 v30  }
0x1df: {  	v21 =	vtrunc.f32 v5;
	v13 =	vmovc v5;
	[tilespmem:$0x1F9B0] =	vst v5;
	v5 =	vadd.f32 v0, v56;
	v22 =	vtrunc.f32 v7  }
0x1e0: {  	v23 =	vtrunc.f32 v52;
	v25 =	vtrunc.f32 v6;
	v31 =	vsel vm1, $0xFFFFFFFF, v62  }
0x1e1: {  	v48 =	vsel vm3, $0xFFFFFFFF, v62;
	v50 =	vsel vm9, $0xFFFFFFFF, v62;
	v54 =	vsel vm10, $0xFFFFFFFF, v62  }
0x1e2: {  	v56 =	vsel vm15, $0xFFFFFFFF, v62;
	v58 =	vsel vm14, $0xFFFFFFFF, v62;
	v29 =	vcvt.f32.s32 v8  }
0x1e3: {  	vm2 =	vlt.f32 v15, v8;
	v8 =	vcvt.f32.s32 v10;
	v4 =	vcvt.f32.s32 v14  }
0x1e4: {  	vm0 =	vlt.f32 v11, v10;
	v10 =	vcvt.f32.s32 v9;
	v9 =	vcvt.f32.s32 v12  }
0x1e5: {  	vm4 =	vlt.f32 v30, v14;
	v12 =	vcvt.f32.s32 v17;
	v14 =	vcvt.f32.s32 v21  }
0x1e6: {  	vm6 =	vlt.f32 v13, v21;
	v21 =	vcvt.f32.s32 v22;
	vm7 =	vlt.f32 v7, v22  }
0x1e7: {  	v17 =	vcvt.f32.s32 v23;
	v22 =	vcvt.f32.s32 v57;
	vm11 =	vlt.f32 v52, v23  }
0x1e8: {  	[tilespmem:$0x1F9D0] =	vst v52;
	v23 =	vcvt.f32.s32 v25;
	vm12 =	vlt.f32 v6, v25;
	v52 =	vsel vm8, $0xFFFFFFFF, v62  }
0x1e9: {  	v28 =	vadd.s32 v28, v31;
	v0 =	vadd.s32 v60, v54;
	v1 =	vadd.s32 v61, v58  }
0x1ea: {  	v24 =	vadd.s32 v24, v56;
	v27 =	vtrunc.f32 v5;
	v26 =	vsel vm2, $0xFFFFFFFF, v62  }
0x1eb: {  	[tilespmem:$0x1F9A0] =	vst v30;
	v30 =	vsel vm0, $0xFFFFFFFF, v62;
	v63 =	vsel vm6, $0xFFFFFFFF, v62;
	v49 =	vsel vm4, $0xFFFFFFFF, v62  }
0x1ec: {  	v51 =	vsel vm7, $0xFFFFFFFF, v62;
	v53 =	vsel vm12, $0xFFFFFFFF, v62;
	v55 =	vsel vm11, $0xFFFFFFFF, v62  }
0x1ed: {  	vm0 =	vgt.s32 v28, $0x1;
	vm11 =	vgt.s32 v1, $0x1;
	vm14 =	vgt.s32 v24, $0x1  }
0x1ee: {  	v25 =	vcvt.f32.s32 v27;
	vm13 =	vlt.f32 v5, v27;
	v27 =	vsel vm5, $0xFFFFFFFF, v62  }
0x1ef: {  	v8 =	vadd.s32 v8, v30;
	v26 =	vadd.s32 v29, v26;
	v9 =	vadd.s32 v9, v48  }
0x1f0: {  	v4 =	vadd.s32 v4, v49;
	v21 =	vadd.s32 v21, v51;
	v12 =	vadd.s32 v12, v52  }
0x1f1: {  	v14 =	vadd.s32 v14, v63;
	v17 =	vadd.s32 v17, v55;
	v22 =	vadd.s32 v22, v50  }
0x1f2: {  	v23 =	vadd.s32 v23, v53;
	v24 =	vnsel vm14, $0x1, v24;
	v1 =	vnsel vm11, $0x1, v1  }
0x1f3: {  	v57 =	vsel vm13, $0xFFFFFFFF, v62;
	v10 =	vadd.s32 v10, v27;
	vm1 =	vgt.s32 v26, $0x1  }
0x1f4: {  	vm2 =	vgt.s32 v4, $0x1;
	vm4 =	vgt.s32 v8, $0x1;
	vm5 =	vgt.s32 v12, $0x1  }
0x1f5: {  	vm6 =	vgt.s32 v14, $0x1;
	vm7 =	vgt.s32 v9, $0x1;
	vm8 =	vgt.s32 v17, $0x1  }
0x1f6: {  	vm9 =	vgt.s32 v22, $0x1;
	vm10 =	vgt.s32 v21, $0x1;
	vm12 =	vgt.s32 v23, $0x1  }
0x1f7: {  	vm13 =	vgt.s32 v0, $0x1;
	v27 =	vnsel vm0, $0x1, v28;
	v1 =	vmin.u32 v1, $0x1FE  }
0x1f8: {  	v24 =	vmin.u32 v24, $0x1FE;
	v25 =	vadd.s32 v25, v57;
	vm3 =	vgt.s32 v10, $0x1  }
0x1f9: {  	v2 =	vld [tilespmem:$0x1FD60];
	v26 =	vnsel vm1, $0x1, v26;
	v8 =	vnsel vm4, $0x1, v8;
	v14 =	vnsel vm6, $0x1, v14  }
0x1fa: {  	v9 =	vnsel vm7, $0x1, v9;
	v4 =	vnsel vm2, $0x1, v4;
	v22 =	vnsel vm9, $0x1, v22  }
0x1fb: {  	v21 =	vnsel vm10, $0x1, v21;
	v12 =	vnsel vm5, $0x1, v12;
	v23 =	vnsel vm12, $0x1, v23  }
0x1fc: {  	v0 =	vnsel vm13, $0x1, v0;
	v17 =	vnsel vm8, $0x1, v17;
	v27 =	vmin.u32 v27, $0x1FE  }
0x1fd: {  	v42 =	vcvt.s32.f32 v1;
	v44 =	vcvt.s32.f32 v24;
	v58 =	vshll.u32 v1, $0x7  }
0x1fe: {  	v1 =	vsub.s32 v1, v2;
	vm15 =	vgt.s32 v25, $0x1;
	v10 =	vnsel vm3, $0x1, v10  }
0x1ff: {  	v8 =	vmin.u32 v8, $0x1FE;
	v26 =	vmin.u32 v26, $0x1FE;
	v9 =	vmin.u32 v9, $0x1FE  }
0x200: {  	v4 =	vmin.u32 v4, $0x1FE;
	v21 =	vmin.u32 v21, $0x1FE;
	v12 =	vmin.u32 v12, $0x1FE  }
0x201: {  	v14 =	vmin.u32 v14, $0x1FE;
	v0 =	vmin.u32 v0, $0x1FE;
	v17 =	vmin.u32 v17, $0x1FE  }
0x202: {  	v22 =	vmin.u32 v22, $0x1FE;
	v23 =	vmin.u32 v23, $0x1FE;
	v29 =	vcvt.s32.f32 v27  }
0x203: {  	v46 =	vshll.u32 v27, $0x7;
	v27 =	vsub.s32 v27, v2;
	v30 =	vcvt.s32.f32 v9  }
0x204: {  	v3 =	vld [tilespmem:$0x1FD50];
	v58 =	vand.u32 $0x380, v58;
	v31 =	vcvt.s32.f32 v26;
	v33 =	vcvt.s32.f32 v12  }
0x205: {  	v25 =	vnsel vm15, $0x1, v25;
	v34 =	vcvt.s32.f32 v8;
	v35 =	vcvt.s32.f32 v22  }
0x206: {  	v10 =	vmin.u32 v10, $0x1FE;
	v36 =	vcvt.s32.f32 v4;
	v39 =	vcvt.s32.f32 v0  }
0x207: {  	v41 =	vcvt.s32.f32 v14;
	v59 =	vand.u32 $0x7F, v26;
	v43 =	vcvt.s32.f32 v21  }
0x208: {  	v60 =	vand.u32 $0x7F, v8;
	v45 =	vcvt.s32.f32 v17;
	v61 =	vand.u32 $0x7F, v4  }
0x209: {  	v26 =	vsub.s32 v26, v3;
	v48 =	vcvt.s32.f32 v23;
	v62 =	vand.u32 $0x7F, v14  }
0x20a: {  	[tilespmem:$0x1F9F0] =	vst v5;
	v49 =	vshll.u32 v9, $0x7;
	v8 =	vsub.s32 v8, v3;
	v5 =	vand.u32 $0x7F, v21  }
0x20b: {  	v51 =	vshll.u32 v12, $0x7;
	v53 =	vshll.u32 v22, $0x7;
	v4 =	vsub.s32 v4, v3  }
0x20c: {  	[tilespmem:$0x1F9C0] =	vst v7;
	v54 =	vsub.s32 v14, v3;
	v55 =	vsub.s32 v9, v2;
	v56 =	vshll.u32 v0, $0x7  }
0x20d: {  	[tilespmem:$0x1F9E0] =	vst v6;
	v21 =	vsub.s32 v21, v3;
	v57 =	vsub.s32 v12, v2;
	v22 =	vsub.s32 v22, v2  }
0x20e: {  	v0 =	vsub.s32 v0, v2;
	v28 =	vcvt.s32.f32 v10;
	v25 =	vmin.u32 v25, $0x1FE;
	[tilespmem:$0x1FC80] =	vst v59  }
0x20f: {  	v47 =	vshll.u32 v10, $0x7;
	[tilespmem:$0x1FD10] =	vst v5;
	v52 =	vsub.s32 v10, v2;
	v5 =	vand.u32 $0x7F, v17  }
0x210: {  	[tilespmem:$0x1FCA0] =	vst v60;
	v59 =	vshll.u32 v24, $0x7;
	v60 =	vsub.s32 v17, v3;
	v24 =	vsub.s32 v24, v2  }
0x211: {  	[tilespmem:$0x1FCD0] =	vst v61;
	v49 =	vand.u32 $0x380, v49;
	v51 =	vand.u32 $0x380, v51;
	v61 =	vadd.s32 $0x1, v4  }
0x212: {  	[tilespmem:$0x1FCF0] =	vst v62;
	v62 =	vshll.u32 v4, $0x3;
	v53 =	vand.u32 $0x380, v53;
	v2 =	vshrl.u32 v57, $0x3  }
0x213: {  	[tilespmem:$0x1FDB0] =	vst v58;
	v56 =	vand.u32 $0x380, v56;
	v57 =	vadd.s32 $0x1, v57;
	v58 =	vshrl.u32 v22, $0x3  }
0x214: {  	v22 =	vadd.s32 $0x1, v22;
	v10 =	vsub.f32 v16, v29;
	v50 =	vcvt.s32.f32 v25;
	[tilespmem:$0x1FD20] =	vst v5  }
0x215: {  	v5 =	vand.u32 $0x7F, v23;
	v23 =	vsub.s32 v23, v3;
	v63 =	vand.u32 $0x380, v47;
	[tilespmem:$0x1FD80] =	vst v49  }
0x216: {  	v47 =	vand.u32 $0x380, v46;
	v46 =	vadd.s32 $0x1, v26;
	v26 =	vshll.u32 v26, $0x3;
	[tilespmem:$0x1FA00] =	vst v51  }
0x217: {  	v49 =	vshll.u32 v8, $0x3;
	v8 =	vadd.s32 $0x1, v8;
	v51 =	vshrl.u32 v52, $0x3;
	[tilespmem:$0x1FD90] =	vst v53  }
0x218: {  	v52 =	vadd.s32 $0x1, v52;
	v53 =	vshll.u32 v54, $0x3;
	[tilespmem:$0x1FDA0] =	vst v56;
	v7 =	vsub.f32 v19, v33  }
0x219: {  	v54 =	vadd.s32 $0x1, v54;
	v56 =	vshll.u32 v21, $0x3;
	v21 =	vadd.s32 $0x1, v21;
	[tilespmem:$0x1FD40] =	vst v5  }
0x21a: {  	v4 =	vadd.s32 $0x1, v60;
	v60 =	vshll.u32 v60, $0x3;
	[tilespmem:$0x1FC90] =	vst v7;
	v7 =	vsub.f32 v18, v35  }
0x21b: {  	v59 =	vand.u32 $0x380, v59;
	v14 =	vsub.f32 v20, v30;
	v12 =	vsub.f32 v15, v31;
	[tilespmem:$0x1FD70] =	vst v63  }
0x21c: {  	v33 =	vsub.f32 v11, v34;
	v34 =	vshrl.u32 v24, $0x3;
	v11 =	vadd.s32 $0x1, v24;
	[tilespmem:$0x1FCB0] =	vst v7;
	v7 =	vld [tilespmem:$0x1F9A0]  }
0x21d: {  	v5 =	vand.u32 $0x7F, v25;
	v25 =	vsub.s32 v25, v3;
	[tilespmem:$0x1FA30] =	vst v47;
	v47 =	vshrl.u32 v27, $0x3  }
0x21e: {  	v27 =	vadd.s32 $0x1, v27;
	v63 =	vshrl.u32 v55, $0x3;
	v55 =	vadd.s32 $0x1, v55;
	[tilespmem:$0x1FDC0] =	vst v59  }
0x21f: {  	v59 =	vshll.u32 v23, $0x3;
	v3 =	vshrl.u32 v0, $0x3;
	v9 =	vadd.s32 $0x1, v23;
	[tilespmem:$0x1FE60] =	vst v10  }
0x220: {  	v0 =	vadd.s32 $0x1, v0;
	v13 =	vsub.f32 v32, v28;
	v16 =	vand.u32 $0xFFFFFC00, v26;
	[tilespmem:$0x1FD30] =	vst v5  }
0x221: {  	v19 =	vand.u32 $0xFFFFFC00, v49;
	[tilespmem:$0x1FA10] =	vst v16;
	v32 =	vsub.f32 v7, v36;
	v7 =	vsub.f32 v37, v39  }
0x222: {  	v24 =	vld [tilespmem:$0x1F9F0];
	v26 =	vshll.u32 v61, $0x3;
	v28 =	vshrl.u32 v52, $0x3;
	v31 =	vand.u32 $0x7F, v21;
	[tilespmem:$0x1FA20] =	vst v19  }
0x223: {  	v5 =	vshrl.u32 v1, $0x3;
	v6 =	vshll.u32 v25, $0x3;
	v1 =	vadd.s32 $0x1, v1;
	[tilespmem:$0x1FCC0] =	vst v7;
	v7 =	vld [tilespmem:$0x1F9B0]  }
0x224: {  	v15 =	vadd.s32 $0x1, v25;
	v16 =	vshll.u32 v27, $0x7;
	v18 =	vld [tilespmem:$0x1F9E0];
	v19 =	vshll.u32 v52, $0x7;
	[tilespmem:$0x1FE10] =	vst v31  }
0x225: {  	v20 =	vshrl.u32 v27, $0x3;
	v25 =	vshll.u32 v55, $0x7;
	v31 =	vshll.u32 v57, $0x7;
	[tilespmem:$0x1FE80] =	vst v14  }
0x226: {  	v35 =	vshrl.u32 v55, $0x3;
	v55 =	vand.u32 $0x7F, v4;
	v59 =	vand.u32 $0xFFFFFC00, v59;
	[tilespmem:$0x1FEC0] =	vst v33  }
0x227: {  	[tilespmem:$0x1FEE0] =	vst v12;
	v19 =	vand.u32 $0x380, v19;
	v25 =	vand.u32 $0x380, v25;
	v27 =	vsub.f32 v24, v50  }
0x228: {  	[tilespmem:$0x1FE20] =	vst v55;
	v24 =	vshll.u32 v8, $0x3;
	v30 =	vsub.f32 v7, v41;
	v7 =	vsub.f32 v38, v42  }
0x229: {  	[tilespmem:$0x1FEA0] =	vst v13;
	v50 =	vmul.u32 $0xC00, v5;
	v5 =	vshll.u32 v9, $0x3;
	v29 =	vsub.f32 v18, v48  }
0x22a: {  	v18 =	vand.u32 $0x7F, v61;
	v48 =	vmul.u32 $0xC00, v51;
	v61 =	vshll.u32 v0, $0x7;
	[tilespmem:$0x1FCE0] =	vst v7;
	v7 =	vld [tilespmem:$0x1F9C0]  }
0x22b: {  	v0 =	vshrl.u32 v0, $0x3;
	v51 =	vmul.u32 $0xC00, v34;
	[tilespmem:$0x1FDF0] =	vst v18;
	v18 =	vshll.u32 v46, $0x3  }
0x22c: {  	[tilespmem:$0x1FF60] =	vst v27;
	v36 =	vshll.u32 v22, $0x7;
	v37 =	vshll.u32 v21, $0x3;
	v21 =	vand.u32 $0x7F, v9  }
0x22d: {  	v9 =	vshll.u32 v15, $0x3;
	v39 =	vand.u32 $0xFFFFFC00, v26;
	[tilespmem:$0x1FE30] =	vst v21;
	v21 =	vand.u32 $0xFFFFFC00, v60  }
0x22e: {  	[tilespmem:$0x1FF50] =	vst v29;
	v60 =	vsub.f32 $1.000000000e+00, v10;
	v49 =	vsub.f32 $1.000000000e+00, v32;
	v38 =	vshrl.u32 v57, $0x3  }
0x22f: {  	[tilespmem:$0x1FF10] =	vst v32;
	v42 =	vand.u32 $0xFFFFFC00, v24;
	v17 =	vsub.f32 v7, v43;
	v7 =	vand.u32 $0x7F, v46  }
0x230: {  	v24 =	vand.u32 $0x380, v31;
	v41 =	vmul.u32 $0xC00, v35;
	[tilespmem:$0x1FDD0] =	vst v7;
	v7 =	vsub.f32 v40, v44  }
0x231: {  	v32 =	vld [tilespmem:$0x1FA20];
	[tilespmem:$0x1FE70] =	vst v60;
	v57 =	vand.u32 $0xFFFFFC00, v37;
	v35 =	vand.u32 $0xFFFFFC00, v9;
	v55 =	vmul.u32 $0xC00, v38  }
0x232: {  	v37 =	vsub.f32 $1.000000000e+00, v30;
	v46 =	vmul.u32 $0xC00, v63;
	v63 =	vshll.u32 v1, $0x7;
	[tilespmem:$0x1FD00] =	vst v7;
	v7 =	vld [tilespmem:$0x1F9D0]  }
0x233: {  	[tilespmem:$0x1FF20] =	vst v49;
	v43 =	vmul.u32 $0xC00, v28;
	v28 =	vand.u32 $0x380, v61;
	v61 =	vsub.f32 $1.000000000e+00, v14  }
0x234: {  	[tilespmem:$0x1FEF0] =	vst v30;
	v26 =	vand.u32 $0x380, v63;
	v63 =	vsub.f32 $1.000000000e+00, v33;
	v33 =	vmovc v59;
	v59 =	vsub.f32 $1.000000000e+00, v27  }
0x235: {  	v1 =	vshrl.u32 v1, $0x3;
	v44 =	vand.u32 $0xFFFFFC00, v18;
	v40 =	vmul.u32 $0xC00, v0;
	[tilespmem:$0x1FE90] =	vst v61  }
0x236: {  	v38 =	vmul.u32 $0xC00, v1;
	v61 =	vsub.f32 $1.000000000e+00, v29;
	[tilespmem:$0x1FF70] =	vst v59;
	v59 =	vadd.s32 v32, v48  }
0x237: {  	[tilespmem:$0x1FF00] =	vst v37;
	v48 =	vadd.s32 v48, v42;
	v23 =	vsub.f32 v7, v45;
	v7 =	vand.u32 $0x7F, v8  }
0x238: {  	v8 =	vand.u32 $0x7F, v54;
	v45 =	vmul.u32 $0xC00, v20;
	v20 =	vsub.f32 $1.000000000e+00, v12;
	[tilespmem:$0x1FDE0] =	vst v7  }
0x239: {  	v7 =	vmul.u32 $0xC00, v47;
	[tilespmem:$0x1FE00] =	vst v8;
	v8 =	vand.u32 $0xFFFFFC00, v62;
	v47 =	vmul.u32 $0xC00, v2  }
0x23a: {  	[tilespmem:$0x1FF40] =	vst v17;
	v62 =	vshll.u32 v4, $0x3;
	v4 =	vshrl.u32 v22, $0x3;
	v22 =	vand.u32 $0x7F, v15  }
0x23b: {  	v2 =	vshll.u32 v54, $0x3;
	[tilespmem:$0x1FE40] =	vst v22;
	v22 =	vand.u32 $0xFFFFFC00, v6;
	v6 =	vshll.u32 v11, $0x7  }
0x23c: {  	p0 =	sne.s32 s23, $0x3F;
	[tilespmem:$0x1FED0] =	vst v63;
	v54 =	vmul.u32 $0xC00, v3;
	v15 =	vand.u32 $0x380, v16;
	v31 =	vand.u32 $0x380, v6;
	v6 =	vld [tilespmem:$0x1FA10]  }
.Ltmp0:
0x23d: {  	v16 =	vand.u32 $0x380, v36;
	v36 =	vand.u32 $0xFFFFFC00, v5;
	[tilespmem:$0x1FA50] =	vst v8;
	v8 =	vand.u32 $0xFFFFFC00, v53;
	(pc) =	sbr.rel @p0 .LBB2_2-.Ltmp0, $4  }
0x23e: {  	v10 =	vld [tilespmem:$0x1FA00];
	v53 =	vmul.u32 $0xC00, v58;
	v11 =	vshrl.u32 v11, $0x3;
	v52 =	vand.u32 $0xFFFFFC00, v2;
	[tilespmem:$0x1FA40] =	vst v8  }
0x23f: {  	[tilespmem:$0x1FE50] =	vst v16;
	v8 =	vand.u32 $0xFFFFFC00, v56;
	v56 =	vand.u32 $0xFFFFFC00, v62;
	v62 =	vsub.f32 $1.000000000e+00, v13;
	v29 =	vld [tilespmem:$0x1FA40]  }
0x240: {  	v58 =	vmul.u32 $0xC00, v4;
	[tilespmem:$0x1FF30] =	vst v23;
	v63 =	vsub.f32 $1.000000000e+00, v23;
	v37 =	vmul.u32 $0xC00, v11;
	v27 =	vmovc v8;
	v8 =	vld [tilespmem:$0x1FA50]  }
0x241: {  	s23 =	sadd.s32 $0x1, s23;
	v49 =	vadd.s32 v7, v44;
	[tilespmem:$0x1FEB0] =	vst v62;
	v62 =	vsub.f32 $1.000000000e+00, v17;
	v17 =	vld [tilespmem:$0x1FA30];
	v60 =	vadd.s32 v6, v7  }
0x242: {  	v5 =	vld [tilespmem:$0x1FD70]  }
0x243: {  	v12 =	vld [tilespmem:$0x1FD80]  }
0x244: {  	v23 =	vld [tilespmem:$0x1FC80]  }
0x245: {  	v18 =	vld [tilespmem:$0x1FDD0]  }
0x246: {  	v6 =	vadd.s32 v6, v45;
	v11 =	vld [tilespmem:$0x1FD90]  }
0x247: {  	v7 =	vadd.s32 v44, v45;
	v13 =	vadd.s32 v27, v53;
	v45 =	vadd.s32 v53, v57;
	v53 =	vld [tilespmem:$0x1FCD0]  }
0x248: {  	v3 =	vadd.s32 v46, v39;
	v14 =	vadd.s32 v42, v43;
	v34 =	vadd.s32 v39, v41;
	v16 =	vld [tilespmem:$0x1FDB0]  }
0x249: {  	v42 =	vadd.s32 v52, v55;
	v6 =	vor.u32 v15, v6;
	v1 =	vor.u32 v17, v49;
	v49 =	vld [tilespmem:$0x1FDA0]  }
0x24a: {  	v7 =	vor.u32 v15, v7;
	v9 =	vadd.s32 v29, v47;
	v4 =	vor.u32 v5, v59;
	v59 =	vld [tilespmem:$0x1FCA0]  }
0x24b: {  	v29 =	vadd.s32 v29, v55;
	v0 =	vor.u32 v17, v60;
	v60 =	vor.u32 v5, v48;
	v5 =	vld [tilespmem:$0x1FDE0]  }
0x24c: {  	v55 =	vadd.s32 v50, v36;
	v2 =	vadd.s32 v8, v46;
	v17 =	vor.u32 v11, v13;
	v13 =	vld [tilespmem:$0x1FCF0]  }
0x24d: {  	v2 =	vor.u32 v12, v2;
	v3 =	vor.u32 v12, v3;
	v12 =	vadd.s32 v47, v52;
	v52 =	vld [tilespmem:$0x1FD10]  }
0x24e: {  	v47 =	vadd.s32 v21, v54;
	v48 =	vadd.s32 v54, v56;
	v54 =	vadd.s32 v33, v50;
	v50 =	vld [tilespmem:$0x1FD20]  }
0x24f: {  	v9 =	vor.u32 v10, v9;
	v0 =	vor.u32 v23, v0;
	v44 =	vor.u32 v16, v55;
	v55 =	vld [tilespmem:$0x1FDC0]  }
0x250: {  	v10 =	vor.u32 v10, v12;
	v12 =	vadd.s32 v32, v43;
	v32 =	vor.u32 v11, v45;
	v11 =	vld [tilespmem:$0x1FDF0]  }
0x251: {  	v30 =	vadd.s32 v8, v41;
	v1 =	vor.u32 v18, v1;
	v43 =	vor.u32 v16, v54;
	v54 =	vld [tilespmem:$0x1FE20]  }
0x252: {  	v30 =	vor.u32 v25, v30;
	v16 =	vmovc v22;
	v45 =	vadd.s32 v22, v51;
	v22 =	vadd.s32 v51, v35;
	v51 =	vld [tilespmem:$0x1FD30]  }
0x253: {  	v6 =	vor.u32 v23, v6;
	v30 =	vor.u32 v53, v30;
	v2 =	vor.u32 v53, v2;
	v53 =	vld [tilespmem:$0x1FEE0]  }
0x254: {  	v7 =	vor.u32 v18, v7;
	v39 =	vor.u32 v49, v47;
	v41 =	vor.u32 v49, v48;
	v49 =	vld [tilespmem:$0x1FD40]  }
0x255: {  	v0 =	vld.idx.msk [tilespmem:v0+s3+$0x0], $0xffff  }
0x256: {  	v1 =	vld.idx.msk [tilespmem:v1+s3+$0x0], $0xffff  }
0x257: {  	v46 =	vor.u32 v5, v60;
	v60 =	vld [tilespmem:$0x1FE00]  }
0x258: {  	v6 =	vld.idx.msk [tilespmem:v6+s3+$0x0], $0xffff  }
0x259: {  	v4 =	vor.u32 v59, v4;
	v7 =	vld.idx.msk [tilespmem:v7+s3+$0x0], $0xffff  }
0x25a: {  	v47 =	vadd.s32 v57, v58;
	v57 =	vor.u32 v19, v14;
	v30 =	vld.idx.msk [tilespmem:v30+s3+$0x0], $0xffff  }
0x25b: {  	v12 =	vor.u32 v19, v12;
	v9 =	vor.u32 v13, v9;
	v8 =	vor.u32 v5, v57;
	v57 =	vld [tilespmem:$0x1FEC0]  }
0x25c: {  	v17 =	vor.u32 v52, v17;
	v12 =	vor.u32 v59, v12;
	v59 =	vadd.s32 v36, v38;
	v36 =	vld [tilespmem:$0x1FF20]  }
0x25d: {  	v2 =	vld.idx.msk [tilespmem:v2+s3+$0x0], $0xffff  }
0x25e: {  	v39 =	vor.u32 v50, v39;
	v4 =	vld.idx.msk [tilespmem:v4+s3+$0x0], $0xffff  }
0x25f: {  	v48 =	vld.idx.msk [tilespmem:v46+s3+$0x0], $0xffff  }
0x260: {  	v29 =	vor.u32 v24, v29;
	v23 =	vadd.s32 v21, v40;
	v9 =	vld.idx.msk [tilespmem:v9+s3+$0x0], $0xffff  }
0x261: {  	v23 =	vor.u32 v28, v23;
	v29 =	vor.u32 v13, v29;
	v17 =	vld.idx.msk [tilespmem:v17+s3+$0x0], $0xffff  }
0x262: {  	v45 =	vor.u32 v55, v45;
	v23 =	vor.u32 v50, v23;
	v46 =	vor.u32 v55, v22;
	v55 =	vld [tilespmem:$0x1FE40]  }
0x263: {  	v22 =	vmov v33;
	v33 =	vld.idx.msk [tilespmem:v39+s3+$0x0], $0xffff  }
0x264: {  	v3 =	vor.u32 v11, v3;
	v12 =	vld.idx.msk [tilespmem:v12+s3+$0x0], $0xffff  }
0x265: {  	v41 =	vor.u32 v54, v41;
	v8 =	vld.idx.msk [tilespmem:v8+s3+$0x0], $0xffff  }
0x266: {  	v18 =	vor.u32 v25, v34;
	v45 =	vor.u32 v51, v45;
	v29 =	vld.idx.msk [tilespmem:v29+s3+$0x0], $0xffff  }
0x267: {  	v42 =	vor.u32 v24, v42;
	v25 =	vor.u32 v11, v18;
	v23 =	vld.idx.msk [tilespmem:v23+s3+$0x0], $0xffff  }
0x268: {  	v19 =	vadd.s32 v16, v37;
	v24 =	vor.u32 v60, v42;
	v42 =	vld [tilespmem:$0x1FEF0]  }
0x269: {  	v21 =	vor.u32 v31, v19;
	v3 =	vld.idx.msk [tilespmem:v3+s3+$0x0], $0xffff  }
0x26a: {  	v56 =	vadd.s32 v56, v40;
	v21 =	vor.u32 v51, v21;
	v40 =	vld.idx.msk [tilespmem:v41+s3+$0x0], $0xffff  }
0x26b: {  	v27 =	vadd.s32 v27, v58;
	v58 =	vadd.s32 v22, v38;
	v38 =	vld.idx.msk [tilespmem:v45+s3+$0x0], $0xffff  }
0x26c: {  	v51 =	vld.idx.msk [tilespmem:v25+s3+$0x0], $0xffff  }
0x26d: {  	v45 =	vor.u32 v26, v59;
	v59 =	vld [tilespmem:$0x1FE30]  }
0x26e: {  	v43 =	vor.u32 v49, v43;
	v41 =	vadd.s32 v35, v37;
	v37 =	vld [tilespmem:$0x1FF10]  }
0x26f: {  	v10 =	vor.u32 v60, v10;
	v21 =	vld.idx.msk [tilespmem:v21+s3+$0x0], $0xffff  }
0x270: {  	v18 =	vmul.f32 v30, v36;
	v2 =	vmul.f32 v2, v36;
	v36 =	vld [tilespmem:$0x1FCC0]  }
0x271: {  	v14 =	vor.u32 v26, v58;
	v50 =	vor.u32 v31, v41;
	v41 =	vld [tilespmem:$0x1FF00]  }
0x272: {  	v31 =	vld [tilespmem:$0x1FCE0];
	v14 =	vor.u32 v49, v14  }
0x273: {  	v22 =	vld.idx.msk [tilespmem:v43+s3+$0x0], $0xffff;
	v46 =	vor.u32 v55, v46  }
0x274: {  	v10 =	vld.idx.msk [tilespmem:v10+s3+$0x0], $0xffff  }
0x275: {  	v43 =	vor.u32 v28, v56;
	v56 =	vld.idx.msk [tilespmem:v24+s3+$0x0], $0xffff  }
0x276: {  	v28 =	vor.u32 v54, v43;
	v43 =	vld [tilespmem:$0x1FE10]  }
0x277: {  	v14 =	vld.idx.msk [tilespmem:v14+s3+$0x0], $0xffff  }
0x278: {  	v26 =	vor.u32 v59, v45;
	v34 =	vld.idx.msk [tilespmem:v46+s3+$0x0], $0xffff  }
0x279: {  	v46 =	vld [tilespmem:$0x1FE50]  }
0x27a: {  	v54 =	vld [tilespmem:$0x1FF60]  }
0x27b: {  	v60 =	vor.u32 v59, v44;
	v45 =	vmul.f32 v33, v63;
	v33 =	vld [tilespmem:$0x1FF40]  }
0x27c: {  	v1 =	vmul.f32 v1, v53;
	v7 =	vmul.f32 v7, v53;
	v53 =	vld.idx.msk [tilespmem:v28+s3+$0x0], $0xffff  }
0x27d: {  	v19 =	vmul.f32 v56, v42;
	v44 =	vor.u32 v43, v32;
	v49 =	vld.idx.msk [tilespmem:v26+s3+$0x0], $0xffff  }
0x27e: {  	v56 =	vmul.f32 v22, v61;
	v14 =	vmul.f32 v14, v61;
	v61 =	vld [tilespmem:$0x1FD00];
	v27 =	vor.u32 v46, v27  }
0x27f: {  	v27 =	vor.u32 v52, v27;
	v52 =	vor.u32 v55, v50;
	v55 =	vld [tilespmem:$0x1FED0]  }
0x280: {  	v0 =	vmul.f32 v0, v20;
	v6 =	vmul.f32 v6, v20;
	v39 =	vor.u32 v46, v47;
	v47 =	vld.idx.msk [tilespmem:v60+s3+$0x0], $0xffff  }
0x281: {  	v58 =	vmul.f32 v48, v57;
	v46 =	vmul.f32 v23, v63;
	v63 =	vld [tilespmem:$0x1FF30]  }
0x282: {  	v8 =	vmul.f32 v8, v57;
	v17 =	vmul.f32 v17, v62;
	v57 =	vld.idx.msk [tilespmem:v44+s3+$0x0], $0xffff  }
0x283: {  	v0 =	vadd.f32 v1, v0;
	v3 =	vmul.f32 v3, v37;
	v20 =	vmul.f32 v51, v37;
	v50 =	vld [tilespmem:$0x1FF70]  }
0x284: {  	v37 =	vsub.f32 $1.000000000e+00, v36;
	v30 =	vor.u32 v43, v39;
	v4 =	vmul.f32 v4, v55;
	v25 =	vld.idx.msk [tilespmem:v52+s3+$0x0], $0xffff  }
0x285: {  	v9 =	vmul.f32 v9, v41;
	v16 =	vmul.f32 v29, v41;
	v2 =	vadd.f32 v3, v2;
	v27 =	vld.idx.msk [tilespmem:v27+s3+$0x0], $0xffff  }
0x286: {  	v10 =	vmul.f32 v10, v42;
	v28 =	vmul.f32 v40, v63;
	v4 =	vadd.f32 v58, v4;
	v58 =	vld [tilespmem:$0x1FF50]  }
0x287: {  	s2 =	sadd.s32 $0x80, s22;
	v32 =	vsub.f32 $1.000000000e+00, v31;
	v39 =	vld [tilespmem:$0x1FCB0];
	v3 =	vmul.f32 v57, v33;
	v12 =	vmul.f32 v12, v55  }
0x288: {  	v41 =	vld [tilespmem:s2+$0xFFFFFFE0];
	v9 =	vadd.f32 v10, v9;
	v51 =	vmul.f32 v38, v50;
	v55 =	vmul.f32 v34, v54  }
0x289: {  	v16 =	vadd.f32 v19, v16;
	v52 =	vmul.f32 v21, v50;
	v60 =	vld.idx.msk [tilespmem:v30+s3+$0x0], $0xffff;
	v25 =	vmul.f32 v25, v54  }
0x28a: {  	v43 =	vld [tilespmem:$0x1FC90];
	v26 =	vadd.f32 v55, v51;
	v48 =	vmul.f32 v27, v62;
	v62 =	vsub.f32 $1.000000000e+00, v61  }
0x28b: {  	v30 =	vld [tilespmem:s2+$0xFFFFFFC0];
	v59 =	vmul.f32 v47, v58;
	v15 =	vadd.f32 v25, v52;
	v24 =	vmul.f32 v49, v58  }
0x28c: {  	v21 =	vmul.f32 v53, v63;
	v38 =	vld [tilespmem:s2+$0xFFFFFFD0];
	v40 =	vsub.f32 $1.000000000e+00, v39;
	v25 =	vmul.f32 v26, v62  }
0x28d: {  	v53 =	vld [tilespmem:s2+$0x10];
	v1 =	vadd.f32 v59, v56;
	v29 =	vadd.f32 v24, v14;
	v15 =	vmul.f32 v15, v61  }
0x28e: {  	v22 =	vadd.f32 v28, v45;
	v13 =	vadd.f32 v21, v46;
	v46 =	vld [tilespmem:$0x1FC70];
	v34 =	vmul.f32 v60, v33  }
0x28f: {  	v45 =	vld [tilespmem:s2+$0xFFFFFFF0];
	v35 =	vadd.f32 v15, v25;
	v1 =	vmul.f32 v1, v32;
	v10 =	vmul.f32 v29, v31  }
0x290: {  	v3 =	vadd.f32 v3, v17;
	v51 =	vld [tilespmem:$0x1FE90];
	v42 =	vmul.f32 v13, v36;
	v11 =	vadd.f32 v34, v48  }
0x291: {  	v55 =	vld [tilespmem:$0x1FEB0];
	v15 =	vmul.f32 v22, v37;
	v5 =	vmul.f32 v35, v30;
	v1 =	vadd.f32 v10, v1  }
0x292: {  	v44 =	vsub.f32 $1.000000000e+00, v43;
	v3 =	vmul.f32 v3, v40;
	v52 =	vld [tilespmem:$0x1FE80];
	v11 =	vmul.f32 v11, v39  }
0x293: {  	v56 =	vld [tilespmem:$0x1FEA0];
	v10 =	vadd.f32 v42, v15;
	v5 =	vadd.f32 v5, v46;
	v1 =	vmul.f32 v1, v38  }
0x294: {  	v9 =	vmul.f32 v9, v44;
	v47 =	vmul.f32 v16, v43;
	v48 =	vadd.f32 v20, v18;
	v49 =	vld [tilespmem:s2+$0x0]  }
0x295: {  	v59 =	vld [tilespmem:$0x1FE70];
	v3 =	vadd.f32 v11, v3;
	v50 =	vmul.f32 v10, v41;
	v1 =	vadd.f32 v1, v5  }
0x296: {  	v8 =	vadd.f32 v8, v12;
	v60 =	vld [tilespmem:$0x1FE60];
	v2 =	vmul.f32 v2, v51;
	v54 =	vadd.f32 v47, v9  }
0x297: {  	v3 =	vmul.f32 v3, v45;
	v10 =	vmul.f32 v48, v52;
	v1 =	vadd.f32 v50, v1  }
0x298: {  	v6 =	vadd.f32 v7, v6;
	v57 =	vld [tilespmem:s2+$0x20];
	v4 =	vmul.f32 v4, v55;
	v8 =	vmul.f32 v8, v56  }
0x299: {  	v58 =	vmul.f32 v54, v49;
	v2 =	vadd.f32 v10, v2;
	v1 =	vadd.f32 v3, v1  }
0x29a: {  	v61 =	vld [tilespmem:s2+$0x30];
	v0 =	vmul.f32 v0, v59;
	v62 =	vadd.f32 v8, v4  }
0x29b: {  	v5 =	vmul.f32 v6, v60;
	v2 =	vmul.f32 v2, v53;
	v1 =	vadd.f32 v58, v1;
	_ =	sdelay $0x1  }
0x29c: {  	v63 =	vmul.f32 v62, v57;
	v0 =	vadd.f32 v5, v0;
	v1 =	vadd.f32 v2, v1;
	_ =	sdelay $0x1  }
0x29d: {  	v0 =	vmul.f32 v0, v61;
	v1 =	vadd.f32 v63, v1;
	_ =	sdelay $0x1  }
0x29e: {  	s21 =	sadd.s32 $0x1, s21;
	v0 =	vadd.f32 v0, v1  }
0x29f: {  	p0 =	sne.s32 s21, s12  }
.Ltmp1:
0x2a0: {  	[tilespmem:$0x11400] =	vst v0;
	(pc) =	sbr.rel @p0 .LBB2_1-.Ltmp1, $4  }
0x2a1: {  	[hbm4b:s11+s3] =	stream.linear.scatter [tilespmem:s20], [sflag:$0x2], $0x80, $0x38;
	[tilespmem:$0x11480] =	vst v63  }
0x2a2: {  	_ =	swait.ge [sflag:s14], $0x80  }
0x2a3: {  	[sflag:s14] =	ssyncset.done $0x0  }
0x2a4: {  	v34 =	vimm.s32 $0x0;
	[sflag:s14] =	ssyncadd.s32 $0xFFFFFF80  }
0x2a5: {  	_ =	sfence.sel $0x180000  }
0x2a6: {  	[bflag:$0x0] =	sbarrier.arrive $0xFFFF  }
0x2a7: {  	_ =	strace $0x90000047  }
0x2a8: {  	[bflag:$0x2] =	sbarrier.arrive $0xFFFF  }
0x2a9: {  	p0 =	sne.s32 s0, $0x0;
	s0 =	rddreg [dreg:$0x3]  }
0x2aa: {  	s0 =	sadd.s32 @!p0 $0x100000, s0  }
0x2ab: {  	[sflag:s0] =	ssyncadd.tile.s32 @!p0 $0x1;
	_ =	shalt  }
.Lfunc_end2:
_tile_overlayer_lowered:
.L_overlay_start_2:
0x2ac: {  	(tag) =	ssettag $0x2  }
0x2ad: {  	s0 =	rddreg [dreg:$0x0];
	s2 =	stileid.u32  }
0x2ae: {  	s1 =	rddreg [dreg:$0x1];
	p0 =	sne.s32 s2, $0x0  }
0x2af: {  	s3 =	rddreg [dreg:$0x2];
	[bflag:$0x3] =	sbarrier.arrive $0xFFFF;
	s2 =	simm.s32 @!p0 $0x1C02  }
0x2b0: {  	[timem:s3], [sflag:s2] =	dma.local @!p0 [hbm:s0], s1  }
0x2b1: {  	s0 =	simm.s32 @!p0 $0x2  }
0x2b2: {  	_ =	swait.ge @!p0 [sflag:s0], s1  }
0x2b3: {  	s1 =	ssub.s32 @!p0 $0x0, s1;
	[sflag:s0] =	ssyncset.done @!p0 $0x0  }
0x2b4: {  	[sflag:s0] =	ssyncadd.s32 @!p0 s1  }
0x2b5: {  	[bflag:$0x3] =	sbarrier.arrive $0xFFFF  }
0x2b6: {  	_ =	shalt  }

</sc_bundles>
